<compile_context>
chip_gen: v7x
topology: tpu7x:2x2x1
jax: 0.10.2.dev20260603
libtpu: 0.0.44.dev20260713+nightly
codegen_flags: <defaults>
</compile_context>

<pallas_src>
import functools

import jax
import jax.numpy as jnp
from jax import lax
from jax.experimental import pallas as pl
from jax.experimental.pallas import tpu as pltpu
from jax.experimental.pallas import tpu_sc as plsc

NS = 16
L = 16
CH = 32


@functools.lru_cache(maxsize=None)
def _make_sc(N, V, B, T):
    RPW = N // NS
    VB = V // 128
    NCH = RPW // CH
    mesh = plsc.VectorSubcoreMesh(
        core_axis_name="c", subcore_axis_name="s", num_cores=1)

    @functools.partial(
        pl.kernel,
        out_type=jax.ShapeDtypeStruct((L,), jnp.float32),
        mesh=mesh,
        compiler_params=pltpu.CompilerParams(
            needs_layout_passes=False,
            skip_device_barrier=True,
            disable_bounds_checks=True,
        ),
        scratch_types=[
            pltpu.VMEM((RPW,), jnp.int32),
            pltpu.VMEM((RPW,), jnp.float32),
            pltpu.VMEM((RPW,), jnp.int32),
            pltpu.VMEM((RPW,), jnp.int32),
            pltpu.VMEM((RPW, 128), jnp.float32),
            pltpu.VMEM((128,), jnp.float32),
            pltpu.VMEM((NS, 128), jnp.float32),
            pltpu.VMEM((L,), jnp.float32),
            pltpu.VMEM_SHARED((NS, 128), jnp.float32),
            pltpu.SemaphoreType.DMA,
            pltpu.SemaphoreType.DMA,
        ] + [pltpu.SemaphoreType.DMA] * (RPW // CH),
    )
    def k(in_hbm, tgt_hbm, msk_hbm, out_hbm,
          tgt_v, msk_v, idx_v, col_v, rows_v, acc_v, all_v, o_v, shared,
          sem, sem2, *gsems):
        sid = lax.axis_index("s")
        base = sid * RPW
        b = base // T
        blk = (base % T) // 128
        NB = RPW // 128
        flat = in_hbm.reshape(N * V // 128, 128)
        for i in range(NB):
            pltpu.async_copy(tgt_hbm.at[blk + i, b],
                             tgt_v.at[pl.ds(i * 128, 128)], sem)
            pltpu.async_copy(msk_hbm.at[blk + i, b],
                             msk_v.at[pl.ds(i * 128, 128)], sem2)
        lane = lax.iota(jnp.int32, L)
        zero16 = jnp.zeros((L,), jnp.int32)

        def zero_body(j, _):
            idx_v[pl.ds(pl.multiple_of(j * L, L), L)] = zero16
            return 0

        lax.fori_loop(0, RPW // L, zero_body, 0)
        for i in range(NB):
            pltpu.make_async_copy(tgt_hbm.at[blk, b],
                                  tgt_v.at[pl.ds(0, 128)], sem).wait()
            pltpu.make_async_copy(msk_hbm.at[blk, b],
                                  msk_v.at[pl.ds(0, 128)], sem2).wait()

        def compact_body(j, o):
            t = tgt_v[pl.ds(pl.multiple_of(j * L, L), L)]
            m = msk_v[pl.ds(pl.multiple_of(j * L, L), L)]
            n = (base + j * L) + lane
            q = (lax.shift_right_logical(n, 3) * (VB * 8)
                 + lax.shift_right_logical(t, 7) * 8
                 + jnp.bitwise_and(n, 7))
            valid = m != 0.0
            plsc.store_compressed(idx_v.at[pl.ds(o, L)], q, mask=valid)
            plsc.store_compressed(col_v.at[pl.ds(o, L)],
                                  jnp.bitwise_and(t, 127), mask=valid)
            pc = plsc.all_reduce_population_count(valid)
            return o + lax.reduce_max_p.bind(pc, axes=(0,))

        o = lax.fori_loop(0, RPW // L, compact_body, jnp.int32(0))

        gathers = []
        for c in range(NCH):
            @pl.when(c * CH < o)
            def _(c=c):
                gathers.append(pltpu.async_copy(
                    flat.at[idx_v.at[pl.ds(c * CH, CH)]],
                    rows_v.at[pl.ds(c * CH, CH)], gsems[c]))
        acc_v[pl.ds(0, L)] = jnp.zeros((L,), jnp.float32)
        for c in range(NCH):
            @pl.when(c * CH < o)
            def _(c=c):
                gathers[c].wait()
                part = jnp.zeros((L,), jnp.float32)
                for jj in range(CH // L):
                    j = c * (CH // L) + jj
                    pos = j * L + lane
                    col = jnp.bitwise_and(col_v[pl.ds(j * L, L)], 127)
                    v = plsc.load_gather(rows_v, [pos, col])
                    part = part + jnp.where(pos < o, v, 0.0)
                acc_v[pl.ds(0, L)] = acc_v[pl.ds(0, L)] - part
        o_f = lax.broadcast_in_dim(
            lax.convert_element_type(o, jnp.float32), (L,), ())
        acc_v[pl.ds(L, L)] = jnp.where(lane == 0, o_f, 0.0)
        pltpu.sync_copy(acc_v, shared.at[sid])
        plsc.subcore_barrier()

        @pl.when(sid == 0)
        def _():
            pltpu.sync_copy(shared, all_v)

            def red_body(i, carry):
                s, c = carry
                return (s + all_v[i, pl.ds(0, L)],
                        c + all_v[i, pl.ds(L, L)])

            s, c = lax.fori_loop(
                0, NS, red_body,
                (jnp.zeros((L,), jnp.float32), jnp.zeros((L,), jnp.float32)))
            S = lax.broadcast_in_dim(
                lax.reduce_sum_p.bind(s, axes=(0,)), (L,), ())
            C = lax.broadcast_in_dim(
                lax.reduce_sum_p.bind(c, axes=(0,)), (L,), ())
            o_v[...] = S / C
            pltpu.sync_copy(o_v, out_hbm)

    return k


def kernel(input, target, mask):
    B, T, V = input.shape
    target = target[:, :T]
    mask = mask[:, :T]
    N = B * T
    x5 = input.reshape(B, T // 8, 8, V // 128, 128).transpose(0, 1, 3, 2, 4)
    tgt = target.astype(jnp.int32).reshape(B, T // 128, 128).transpose(1, 0, 2)
    msk = mask.astype(jnp.float32).reshape(B, T // 128, 128).transpose(1, 0, 2)
    out = _make_sc(N, V, B, T)(x5, tgt, msk)
    return out[0]

# --- scband reference (transcript-rebuilt; emitter-appended) ---
"""Pipeline reference for scband-language-model-weight-criterion-57990648430738 (READ-ONLY COPY).

The authoritative reference and input builder live on the scoring server;
editing this copy changes nothing except your own understanding.
"""

import jax, jax.numpy as jnp
import numpy as np


def setup_inputs(seed: int = 0) -> dict:
    key = jax.random.key(seed)
    k1, k2, k3 = jax.random.split(key, 3)
    input = jax.random.normal(k1, (2, 2048, 32000), dtype=jnp.float32)
    target = jax.random.randint(k2, (2, 2048), 0, 32000, dtype=jnp.int64)
    mask = jax.random.randint(k3, (2, 2048), 0, 2).astype(jnp.float32)
    return {"input": input, "target": target, "mask": mask}


def reference(input, target, mask):
    # target = target[:, :input.size(1)]; mask = mask[:, :input.size(1)]
    T = input.shape[1]
    target = target[:, :T]
    mask = mask[:, :T]
    # input.view(-1, V); target.view(-1, 1); -input.gather(1, target)
    V = input.shape[2]
    flat_input = input.reshape(-1, V)
    flat_target = target.reshape(-1, 1)
    gathered = jnp.take_along_axis(flat_input, flat_target, axis=1)
    output = -gathered.reshape(mask.shape) * mask
    # loss = output.sum() / mask[mask > 0].size(0)
    count = jnp.sum(mask > 0).astype(jnp.float32)
    loss = output.sum() / count
    return loss

if __name__ == "__main__":
    import jax
    _d = setup_inputs()
    print(jax.jit(kernel)(*tuple(_d.values())))

</pallas_src>

<mosaic_0001>
#map = affine_map<(d0, d1) -> (0, 0, 0, 0, 0)>
#map1 = affine_map<(d0, d1) -> (0, 0, 0)>
#map2 = affine_map<(d0, d1) -> (0)>
module attributes {stable_mosaic.version = 14 : i64} {
  func.func @k(%arg0: i32, %arg1: i32, %arg2: memref<2x256x250x8x128xf32, #tpu.memory_space<hbm>>, %arg3: memref<16x2x128xi32, #tpu.memory_space<hbm>>, %arg4: memref<16x2x128xf32, #tpu.memory_space<hbm>>, %arg5: memref<16xf32, #tpu.memory_space<hbm>>, %arg6: memref<256xi32, #tpu.memory_space<vmem>>, %arg7: memref<256xf32, #tpu.memory_space<vmem>>, %arg8: memref<256xi32, #tpu.memory_space<vmem>>, %arg9: memref<256xi32, #tpu.memory_space<vmem>>, %arg10: memref<256x128xf32, #tpu.memory_space<vmem>>, %arg11: memref<128xf32, #tpu.memory_space<vmem>>, %arg12: memref<16x128xf32, #tpu.memory_space<vmem>>, %arg13: memref<16xf32, #tpu.memory_space<vmem>>, %arg14: memref<16x128xf32, #tpu.memory_space<vmem_shared>>, %arg15: memref<!tpu.dma_semaphore, #tpu.memory_space<semaphore_mem>>, %arg16: memref<!tpu.dma_semaphore, #tpu.memory_space<semaphore_mem>>, %arg17: memref<!tpu.dma_semaphore, #tpu.memory_space<semaphore_mem>>, %arg18: memref<!tpu.dma_semaphore, #tpu.memory_space<semaphore_mem>>, %arg19: memref<!tpu.dma_semaphore, #tpu.memory_space<semaphore_mem>>, %arg20: memref<!tpu.dma_semaphore, #tpu.memory_space<semaphore_mem>>, %arg21: memref<!tpu.dma_semaphore, #tpu.memory_space<semaphore_mem>>, %arg22: memref<!tpu.dma_semaphore, #tpu.memory_space<semaphore_mem>>, %arg23: memref<!tpu.dma_semaphore, #tpu.memory_space<semaphore_mem>>, %arg24: memref<!tpu.dma_semaphore, #tpu.memory_space<semaphore_mem>>) attributes {dimension_semantics = [#tpu.dimension_semantics<core_parallel>, #tpu.dimension_semantics<subcore_parallel>], iteration_bounds = array<i64: 1, 16>, scalar_prefetch = 0 : i64, scratch_operands = 19 : i64, tpu.core_type = #tpu.core_type<sc_vector_subcore>, window_params = [{transform_indices = #map}, {transform_indices = #map1}, {transform_indices = #map1}, {transform_indices = #map2}]} {
    %mul3A = arith.constant 256 : i32
    %mul3A_0 = arith.muli %arg1, %mul3A : i32
    %jit3A = arith.constant 2048 : i32
    %div3A = arith.divsi %mul3A_0, %jit3A : i32
    %sign3A = arith.constant 0 : i32
    %sign3A_1 = arith.cmpi sgt, %mul3A_0, %sign3A : i32
    %sign3A_2 = arith.extui %sign3A_1 : i1 to i32
    %sign3A_3 = arith.constant 0 : i32
    %sign3A_4 = arith.cmpi slt, %mul3A_0, %sign3A_3 : i32
    %sign3A_5 = arith.extui %sign3A_4 : i1 to i32
    %sign3A_6 = arith.subi %sign3A_2, %sign3A_5 : i32
    %sign3A_7 = arith.constant 0 : i32
    %sign3A_8 = arith.cmpi sgt, %jit3A, %sign3A_7 : i32
    %sign3A_9 = arith.extui %sign3A_8 : i1 to i32
    %sign3A_10 = arith.constant 0 : i32
    %sign3A_11 = arith.cmpi slt, %jit3A, %sign3A_10 : i32
    %sign3A_12 = arith.extui %sign3A_11 : i1 to i32
    %sign3A_13 = arith.subi %sign3A_9, %sign3A_12 : i32
    %ne3A = arith.cmpi ne, %sign3A_6, %sign3A_13 : i32
    %rem3A = arith.remsi %mul3A_0, %jit3A : i32
    %ne3A_14 = arith.constant 0 : i32
    %ne3A_15 = arith.cmpi ne, %rem3A, %ne3A_14 : i32
    %and3A = arith.andi %ne3A, %ne3A_15 : i1
    %sub3A = arith.constant 1 : i32
    %sub3A_16 = arith.subi %div3A, %sub3A : i32
    %select_n3A = arith.select %and3A, %sub3A_16, %div3A : i32
    %jit3A_17 = arith.constant 2048 : i32
    %eq3A = arith.constant 0 : i32
    %eq3A_18 = arith.cmpi eq, %jit3A_17, %eq3A : i32
    %jit3A_19 = arith.constant 1 : i32
    %select_n3A_20 = arith.select %eq3A_18, %jit3A_19, %jit3A_17 : i32
    %rem3A_21 = arith.remsi %mul3A_0, %select_n3A_20 : i32
    %ne3A_22 = arith.constant 0 : i32
    %ne3A_23 = arith.cmpi ne, %rem3A_21, %ne3A_22 : i32
    %lt3A = arith.constant 0 : i32
    %lt3A_24 = arith.cmpi slt, %rem3A_21, %lt3A : i32
    %lt3A_25 = arith.constant 0 : i32
    %lt3A_26 = arith.cmpi slt, %select_n3A_20, %lt3A_25 : i32
    %ne3A_27 = arith.xori %lt3A_24, %lt3A_26 : i1
    %and3A_28 = arith.andi %ne3A_27, %ne3A_23 : i1
    %add3A = arith.addi %rem3A_21, %select_n3A_20 : i32
    %select_n3A_29 = arith.select %and3A_28, %add3A, %rem3A_21 : i32
    %jit3A_30 = arith.constant 128 : i32
    %div3A_31 = arith.divsi %select_n3A_29, %jit3A_30 : i32
    %sign3A_32 = arith.constant 0 : i32
    %sign3A_33 = arith.cmpi sgt, %select_n3A_29, %sign3A_32 : i32
    %sign3A_34 = arith.extui %sign3A_33 : i1 to i32
    %sign3A_35 = arith.constant 0 : i32
    %sign3A_36 = arith.cmpi slt, %select_n3A_29, %sign3A_35 : i32
    %sign3A_37 = arith.extui %sign3A_36 : i1 to i32
    %sign3A_38 = arith.subi %sign3A_34, %sign3A_37 : i32
    %sign3A_39 = arith.constant 0 : i32
    %sign3A_40 = arith.cmpi sgt, %jit3A_30, %sign3A_39 : i32
    %sign3A_41 = arith.extui %sign3A_40 : i1 to i32
    %sign3A_42 = arith.constant 0 : i32
    %sign3A_43 = arith.cmpi slt, %jit3A_30, %sign3A_42 : i32
    %sign3A_44 = arith.extui %sign3A_43 : i1 to i32
    %sign3A_45 = arith.subi %sign3A_41, %sign3A_44 : i32
    %ne3A_46 = arith.cmpi ne, %sign3A_38, %sign3A_45 : i32
    %rem3A_47 = arith.remsi %select_n3A_29, %jit3A_30 : i32
    %ne3A_48 = arith.constant 0 : i32
    %ne3A_49 = arith.cmpi ne, %rem3A_47, %ne3A_48 : i32
    %and3A_50 = arith.andi %ne3A_46, %ne3A_49 : i1
    %sub3A_51 = arith.constant 1 : i32
    %sub3A_52 = arith.subi %div3A_31, %sub3A_51 : i32
    %select_n3A_53 = arith.select %and3A_50, %sub3A_52, %div3A_31 : i32
    %add3A_54 = arith.constant 0 : i32
    %add3A_55 = arith.addi %select_n3A_53, %add3A_54 : i32
    %dma_start3A = arith.constant 0 : i32
    %dma_start3A_56 = tpu.memref_slice %arg6[%dma_start3A] : memref<256xi32, #tpu.memory_space<vmem>> -> memref<128xi32, #tpu.memory_space<vmem>>
    %dma_start3A_57 = arith.constant 0 : i32
    %dma_start3A_58 = tpu.memref_slice %arg3[%add3A_55, %select_n3A, %dma_start3A_57] : memref<16x2x128xi32, #tpu.memory_space<hbm>> -> memref<1x1x128xi32, #tpu.memory_space<hbm>>
    %dma_start3A_59 = tpu.memref_squeeze %dma_start3A_58 : memref<1x1x128xi32, #tpu.memory_space<hbm>> -> memref<128xi32, #tpu.memory_space<hbm>>
    %dma_start3A_60 = arith.constant 0 : i32
    %dma_start3A_61 = tpu.memref_slice %arg6[%dma_start3A_60] : memref<256xi32, #tpu.memory_space<vmem>> -> memref<128xi32, #tpu.memory_space<vmem>>
    %dma_start3A_62 = arith.constant 0 : i32
    %dma_start3A_63 = tpu.memref_slice %arg3[%add3A_55, %select_n3A, %dma_start3A_62] : memref<16x2x128xi32, #tpu.memory_space<hbm>> -> memref<1x1x128xi32, #tpu.memory_space<hbm>>
    %dma_start3A_64 = tpu.memref_squeeze %dma_start3A_63 : memref<1x1x128xi32, #tpu.memory_space<hbm>> -> memref<128xi32, #tpu.memory_space<hbm>>
    tpu.enqueue_dma source(%dma_start3A_64 : memref<128xi32, #tpu.memory_space<hbm>>) target(%dma_start3A_61 : memref<128xi32, #tpu.memory_space<vmem>>) target_semaphore(%arg15 : memref<!tpu.dma_semaphore, #tpu.memory_space<semaphore_mem>>)
    %add3A_65 = arith.constant 0 : i32
    %add3A_66 = arith.addi %select_n3A_53, %add3A_65 : i32
    %dma_start3A_67 = arith.constant 0 : i32
    %dma_start3A_68 = tpu.memref_slice %arg7[%dma_start3A_67] : memref<256xf32, #tpu.memory_space<vmem>> -> memref<128xf32, #tpu.memory_space<vmem>>
    %dma_start3A_69 = arith.constant 0 : i32
    %dma_start3A_70 = tpu.memref_slice %arg4[%add3A_66, %select_n3A, %dma_start3A_69] : memref<16x2x128xf32, #tpu.memory_space<hbm>> -> memref<1x1x128xf32, #tpu.memory_space<hbm>>
    %dma_start3A_71 = tpu.memref_squeeze %dma_start3A_70 : memref<1x1x128xf32, #tpu.memory_space<hbm>> -> memref<128xf32, #tpu.memory_space<hbm>>
    %dma_start3A_72 = arith.constant 0 : i32
    %dma_start3A_73 = tpu.memref_slice %arg7[%dma_start3A_72] : memref<256xf32, #tpu.memory_space<vmem>> -> memref<128xf32, #tpu.memory_space<vmem>>
    %dma_start3A_74 = arith.constant 0 : i32
    %dma_start3A_75 = tpu.memref_slice %arg4[%add3A_66, %select_n3A, %dma_start3A_74] : memref<16x2x128xf32, #tpu.memory_space<hbm>> -> memref<1x1x128xf32, #tpu.memory_space<hbm>>
    %dma_start3A_76 = tpu.memref_squeeze %dma_start3A_75 : memref<1x1x128xf32, #tpu.memory_space<hbm>> -> memref<128xf32, #tpu.memory_space<hbm>>
    tpu.enqueue_dma source(%dma_start3A_76 : memref<128xf32, #tpu.memory_space<hbm>>) target(%dma_start3A_73 : memref<128xf32, #tpu.memory_space<vmem>>) target_semaphore(%arg16 : memref<!tpu.dma_semaphore, #tpu.memory_space<semaphore_mem>>)
    %add3A_77 = arith.constant 1 : i32
    %add3A_78 = arith.addi %select_n3A_53, %add3A_77 : i32
    %dma_start3A_79 = arith.constant 128 : i32
    %dma_start3A_80 = tpu.memref_slice %arg6[%dma_start3A_79] : memref<256xi32, #tpu.memory_space<vmem>> -> memref<128xi32, #tpu.memory_space<vmem>>
    %dma_start3A_81 = arith.constant 0 : i32
    %dma_start3A_82 = tpu.memref_slice %arg3[%add3A_78, %select_n3A, %dma_start3A_81] : memref<16x2x128xi32, #tpu.memory_space<hbm>> -> memref<1x1x128xi32, #tpu.memory_space<hbm>>
    %dma_start3A_83 = tpu.memref_squeeze %dma_start3A_82 : memref<1x1x128xi32, #tpu.memory_space<hbm>> -> memref<128xi32, #tpu.memory_space<hbm>>
    %dma_start3A_84 = arith.constant 128 : i32
    %dma_start3A_85 = tpu.memref_slice %arg6[%dma_start3A_84] : memref<256xi32, #tpu.memory_space<vmem>> -> memref<128xi32, #tpu.memory_space<vmem>>
    %dma_start3A_86 = arith.constant 0 : i32
    %dma_start3A_87 = tpu.memref_slice %arg3[%add3A_78, %select_n3A, %dma_start3A_86] : memref<16x2x128xi32, #tpu.memory_space<hbm>> -> memref<1x1x128xi32, #tpu.memory_space<hbm>>
    %dma_start3A_88 = tpu.memref_squeeze %dma_start3A_87 : memref<1x1x128xi32, #tpu.memory_space<hbm>> -> memref<128xi32, #tpu.memory_space<hbm>>
    tpu.enqueue_dma source(%dma_start3A_88 : memref<128xi32, #tpu.memory_space<hbm>>) target(%dma_start3A_85 : memref<128xi32, #tpu.memory_space<vmem>>) target_semaphore(%arg15 : memref<!tpu.dma_semaphore, #tpu.memory_space<semaphore_mem>>)
    %add3A_89 = arith.constant 1 : i32
    %add3A_90 = arith.addi %select_n3A_53, %add3A_89 : i32
    %dma_start3A_91 = arith.constant 128 : i32
    %dma_start3A_92 = tpu.memref_slice %arg7[%dma_start3A_91] : memref<256xf32, #tpu.memory_space<vmem>> -> memref<128xf32, #tpu.memory_space<vmem>>
    %dma_start3A_93 = arith.constant 0 : i32
    %dma_start3A_94 = tpu.memref_slice %arg4[%add3A_90, %select_n3A, %dma_start3A_93] : memref<16x2x128xf32, #tpu.memory_space<hbm>> -> memref<1x1x128xf32, #tpu.memory_space<hbm>>
    %dma_start3A_95 = tpu.memref_squeeze %dma_start3A_94 : memref<1x1x128xf32, #tpu.memory_space<hbm>> -> memref<128xf32, #tpu.memory_space<hbm>>
    %dma_start3A_96 = arith.constant 128 : i32
    %dma_start3A_97 = tpu.memref_slice %arg7[%dma_start3A_96] : memref<256xf32, #tpu.memory_space<vmem>> -> memref<128xf32, #tpu.memory_space<vmem>>
    %dma_start3A_98 = arith.constant 0 : i32
    %dma_start3A_99 = tpu.memref_slice %arg4[%add3A_90, %select_n3A, %dma_start3A_98] : memref<16x2x128xf32, #tpu.memory_space<hbm>> -> memref<1x1x128xf32, #tpu.memory_space<hbm>>
    %dma_start3A_100 = tpu.memref_squeeze %dma_start3A_99 : memref<1x1x128xf32, #tpu.memory_space<hbm>> -> memref<128xf32, #tpu.memory_space<hbm>>
    tpu.enqueue_dma source(%dma_start3A_100 : memref<128xf32, #tpu.memory_space<hbm>>) target(%dma_start3A_97 : memref<128xf32, #tpu.memory_space<vmem>>) target_semaphore(%arg16 : memref<!tpu.dma_semaphore, #tpu.memory_space<semaphore_mem>>)
    %iota3A = tpu.iota {dimensions = array<i32: 0>} : vector<16xi32>
    %broadcast_in_dim3A = arith.constant 0 : i32
    %broadcast_in_dim3A_101 = vector.broadcast %broadcast_in_dim3A : i32 to vector<16xi32>
    %scan3A = arith.constant 0 : i32
    %scan3A_102 = arith.constant 0 : i32
    %scan3A_103 = arith.constant 16 : i32
    %scan3A_104 = arith.addi %scan3A_102, %scan3A_103 : i32
    %scan3A_105 = arith.constant 1 : i32
    %scan3A_106 = scf.for %scan3A_249 = %scan3A_102 to %scan3A_104 step %scan3A_105 iter_args(%scan3A_250 = %scan3A) -> (i32)  : i32 {
      %mul3A_251 = arith.constant 16 : i32
      %mul3A_252 = arith.muli %scan3A_249, %mul3A_251 : i32
      %multiple_of3A = tpu.assume_multiple %mul3A_252, 16 : i32
      %swap3A_253 = arith.index_cast %multiple_of3A : i32 to index
      %swap3A_254 = tpu.vector_load %arg8[%swap3A_253] {strides = array<i32>} : memref<256xi32, #tpu.memory_space<vmem>>, vector<16xi32>,
      tpu.vector_store %arg8[%swap3A_253], %broadcast_in_dim3A_101 {strides = array<i32>} : memref<256xi32, #tpu.memory_space<vmem>>, vector<16xi32>,
      %scan3A_255 = arith.constant 0 : i32
      scf.yield %scan3A_255 : i32
    }
    %scan3A_107 = arith.constant 16 : i32
    %dma_wait3A = arith.constant 0 : i32
    %dma_wait3A_108 = tpu.memref_slice %arg6[%dma_wait3A] : memref<256xi32, #tpu.memory_space<vmem>> -> memref<128xi32, #tpu.memory_space<vmem>>
    %dma_wait3A_109 = arith.constant 0 : i32
    %dma_wait3A_110 = tpu.memref_slice %arg3[%select_n3A_53, %select_n3A, %dma_wait3A_109] : memref<16x2x128xi32, #tpu.memory_space<hbm>> -> memref<1x1x128xi32, #tpu.memory_space<hbm>>
    %dma_wait3A_111 = tpu.memref_squeeze %dma_wait3A_110 : memref<1x1x128xi32, #tpu.memory_space<hbm>> -> memref<128xi32, #tpu.memory_space<hbm>>
    %dma_wait3A_112 = arith.constant 0 : i32
    %dma_wait3A_113 = tpu.memref_slice %arg6[%dma_wait3A_112] : memref<256xi32, #tpu.memory_space<vmem>> -> memref<128xi32, #tpu.memory_space<vmem>>
    %dma_wait3A_114 = arith.constant 0 : i32
    %dma_wait3A_115 = tpu.memref_slice %arg3[%select_n3A_53, %select_n3A, %dma_wait3A_114] : memref<16x2x128xi32, #tpu.memory_space<hbm>> -> memref<1x1x128xi32, #tpu.memory_space<hbm>>
    %dma_wait3A_116 = tpu.memref_squeeze %dma_wait3A_115 : memref<1x1x128xi32, #tpu.memory_space<hbm>> -> memref<128xi32, #tpu.memory_space<hbm>>
    tpu.wait_dma2 semaphore(%arg15 : memref<!tpu.dma_semaphore, #tpu.memory_space<semaphore_mem>>) src(%dma_wait3A_116 : memref<128xi32, #tpu.memory_space<hbm>>) dst(%dma_wait3A_113 : memref<128xi32, #tpu.memory_space<vmem>>)
    %dma_wait3A_117 = arith.constant 0 : i32
    %dma_wait3A_118 = tpu.memref_slice %arg7[%dma_wait3A_117] : memref<256xf32, #tpu.memory_space<vmem>> -> memref<128xf32, #tpu.memory_space<vmem>>
    %dma_wait3A_119 = arith.constant 0 : i32
    %dma_wait3A_120 = tpu.memref_slice %arg4[%select_n3A_53, %select_n3A, %dma_wait3A_119] : memref<16x2x128xf32, #tpu.memory_space<hbm>> -> memref<1x1x128xf32, #tpu.memory_space<hbm>>
    %dma_wait3A_121 = tpu.memref_squeeze %dma_wait3A_120 : memref<1x1x128xf32, #tpu.memory_space<hbm>> -> memref<128xf32, #tpu.memory_space<hbm>>
    %dma_wait3A_122 = arith.constant 0 : i32
    %dma_wait3A_123 = tpu.memref_slice %arg7[%dma_wait3A_122] : memref<256xf32, #tpu.memory_space<vmem>> -> memref<128xf32, #tpu.memory_space<vmem>>
    %dma_wait3A_124 = arith.constant 0 : i32
    %dma_wait3A_125 = tpu.memref_slice %arg4[%select_n3A_53, %select_n3A, %dma_wait3A_124] : memref<16x2x128xf32, #tpu.memory_space<hbm>> -> memref<1x1x128xf32, #tpu.memory_space<hbm>>
    %dma_wait3A_126 = tpu.memref_squeeze %dma_wait3A_125 : memref<1x1x128xf32, #tpu.memory_space<hbm>> -> memref<128xf32, #tpu.memory_space<hbm>>
    tpu.wait_dma2 semaphore(%arg16 : memref<!tpu.dma_semaphore, #tpu.memory_space<semaphore_mem>>) src(%dma_wait3A_126 : memref<128xf32, #tpu.memory_space<hbm>>) dst(%dma_wait3A_123 : memref<128xf32, #tpu.memory_space<vmem>>)
    %dma_wait3A_127 = arith.constant 0 : i32
    %dma_wait3A_128 = tpu.memref_slice %arg6[%dma_wait3A_127] : memref<256xi32, #tpu.memory_space<vmem>> -> memref<128xi32, #tpu.memory_space<vmem>>
    %dma_wait3A_129 = arith.constant 0 : i32
    %dma_wait3A_130 = tpu.memref_slice %arg3[%select_n3A_53, %select_n3A, %dma_wait3A_129] : memref<16x2x128xi32, #tpu.memory_space<hbm>> -> memref<1x1x128xi32, #tpu.memory_space<hbm>>
    %dma_wait3A_131 = tpu.memref_squeeze %dma_wait3A_130 : memref<1x1x128xi32, #tpu.memory_space<hbm>> -> memref<128xi32, #tpu.memory_space<hbm>>
    %dma_wait3A_132 = arith.constant 0 : i32
    %dma_wait3A_133 = tpu.memref_slice %arg6[%dma_wait3A_132] : memref<256xi32, #tpu.memory_space<vmem>> -> memref<128xi32, #tpu.memory_space<vmem>>
    %dma_wait3A_134 = arith.constant 0 : i32
    %dma_wait3A_135 = tpu.memref_slice %arg3[%select_n3A_53, %select_n3A, %dma_wait3A_134] : memref<16x2x128xi32, #tpu.memory_space<hbm>> -> memref<1x1x128xi32, #tpu.memory_space<hbm>>
    %dma_wait3A_136 = tpu.memref_squeeze %dma_wait3A_135 : memref<1x1x128xi32, #tpu.memory_space<hbm>> -> memref<128xi32, #tpu.memory_space<hbm>>
    tpu.wait_dma2 semaphore(%arg15 : memref<!tpu.dma_semaphore, #tpu.memory_space<semaphore_mem>>) src(%dma_wait3A_136 : memref<128xi32, #tpu.memory_space<hbm>>) dst(%dma_wait3A_133 : memref<128xi32, #tpu.memory_space<vmem>>)
    %dma_wait3A_137 = arith.constant 0 : i32
    %dma_wait3A_138 = tpu.memref_slice %arg7[%dma_wait3A_137] : memref<256xf32, #tpu.memory_space<vmem>> -> memref<128xf32, #tpu.memory_space<vmem>>
    %dma_wait3A_139 = arith.constant 0 : i32
    %dma_wait3A_140 = tpu.memref_slice %arg4[%select_n3A_53, %select_n3A, %dma_wait3A_139] : memref<16x2x128xf32, #tpu.memory_space<hbm>> -> memref<1x1x128xf32, #tpu.memory_space<hbm>>
    %dma_wait3A_141 = tpu.memref_squeeze %dma_wait3A_140 : memref<1x1x128xf32, #tpu.memory_space<hbm>> -> memref<128xf32, #tpu.memory_space<hbm>>
    %dma_wait3A_142 = arith.constant 0 : i32
    %dma_wait3A_143 = tpu.memref_slice %arg7[%dma_wait3A_142] : memref<256xf32, #tpu.memory_space<vmem>> -> memref<128xf32, #tpu.memory_space<vmem>>
    %dma_wait3A_144 = arith.constant 0 : i32
    %dma_wait3A_145 = tpu.memref_slice %arg4[%select_n3A_53, %select_n3A, %dma_wait3A_144] : memref<16x2x128xf32, #tpu.memory_space<hbm>> -> memref<1x1x128xf32, #tpu.memory_space<hbm>>
    %dma_wait3A_146 = tpu.memref_squeeze %dma_wait3A_145 : memref<1x1x128xf32, #tpu.memory_space<hbm>> -> memref<128xf32, #tpu.memory_space<hbm>>
    tpu.wait_dma2 semaphore(%arg16 : memref<!tpu.dma_semaphore, #tpu.memory_space<semaphore_mem>>) src(%dma_wait3A_146 : memref<128xf32, #tpu.memory_space<hbm>>) dst(%dma_wait3A_143 : memref<128xf32, #tpu.memory_space<vmem>>)
    %scan3A_147 = arith.constant 0 : i32
    %scan3A_148 = arith.constant 0 : i32
    %scan3A_149 = arith.constant 16 : i32
    %scan3A_150 = arith.addi %scan3A_148, %scan3A_149 : i32
    %scan3A_151 = arith.constant 1 : i32
    %scan3A_152 = scf.for %scan3A_249 = %scan3A_148 to %scan3A_150 step %scan3A_151 iter_args(%scan3A_250 = %scan3A_147) -> (i32)  : i32 {
      %mul3A_251 = arith.constant 16 : i32
      %mul3A_252 = arith.muli %scan3A_249, %mul3A_251 : i32
      %multiple_of3A = tpu.assume_multiple %mul3A_252, 16 : i32
      %get3A = arith.index_cast %multiple_of3A : i32 to index
      %get3A_253 = tpu.vector_load %arg6[%get3A] {strides = array<i32>} : memref<256xi32, #tpu.memory_space<vmem>>, vector<16xi32>,
      %mul3A_254 = arith.constant 16 : i32
      %mul3A_255 = arith.muli %scan3A_249, %mul3A_254 : i32
      %multiple_of3A_256 = tpu.assume_multiple %mul3A_255, 16 : i32
      %get3A_257 = arith.index_cast %multiple_of3A_256 : i32 to index
      %get3A_258 = tpu.vector_load %arg7[%get3A_257] {strides = array<i32>} : memref<256xf32, #tpu.memory_space<vmem>>, vector<16xf32>,
      %mul3A_259 = arith.constant 16 : i32
      %mul3A_260 = arith.muli %scan3A_249, %mul3A_259 : i32
      %add3A_261 = arith.addi %mul3A_0, %mul3A_260 : i32
      %add3A_262 = vector.broadcast %add3A_261 : i32 to vector<16xi32>
      %add3A_263 = arith.addi %add3A_262, %iota3A : vector<16xi32>
      %shift_right_logical3A = arith.constant 3 : i32
      %shift_right_logical3A_264 = vector.broadcast %shift_right_logical3A : i32 to vector<16xi32>
      %shift_right_logical3A_265 = arith.shrui %add3A_263, %shift_right_logical3A_264 : vector<16xi32>
      %mul3A_266 = arith.constant 2000 : i32
      %mul3A_267 = vector.broadcast %mul3A_266 : i32 to vector<16xi32>
      %mul3A_268 = arith.muli %shift_right_logical3A_265, %mul3A_267 : vector<16xi32>
      %shift_right_logical3A_269 = arith.constant 7 : i32
      %shift_right_logical3A_270 = vector.broadcast %shift_right_logical3A_269 : i32 to vector<16xi32>
      %shift_right_logical3A_271 = arith.shrui %get3A_253, %shift_right_logical3A_270 : vector<16xi32>
      %mul3A_272 = arith.constant 8 : i32
      %mul3A_273 = vector.broadcast %mul3A_272 : i32 to vector<16xi32>
      %mul3A_274 = arith.muli %shift_right_logical3A_271, %mul3A_273 : vector<16xi32>
      %add3A_275 = arith.addi %mul3A_268, %mul3A_274 : vector<16xi32>
      %and3A_276 = arith.constant 7 : i32
      %and3A_277 = vector.broadcast %and3A_276 : i32 to vector<16xi32>
      %and3A_278 = arith.andi %add3A_263, %and3A_277 : vector<16xi32>
      %add3A_279 = arith.addi %add3A_275, %and3A_278 : vector<16xi32>
      %ne3A_280 = arith.constant 0.000000e+00 : f32
      %ne3A_281 = vector.broadcast %ne3A_280 : f32 to vector<16xf32>
      %ne3A_282 = arith.cmpf one, %get3A_258, %ne3A_281 : vector<16xf32>
      %swap3A_283 = arith.index_cast %scan3A_250 : i32 to index
      %swap3A_284 = tpu.vector_load %arg8[%swap3A_283] masked %ne3A_282 {strides = array<i32>} : memref<256xi32, #tpu.memory_space<vmem>>, vector<16xi32>, vector<16xi1>
      tpu.vector_store %arg8[%swap3A_283], %add3A_279 masked %ne3A_282 {strides = array<i32>} : memref<256xi32, #tpu.memory_space<vmem>>, vector<16xi32>, vector<16xi1>
      %and3A_285 = arith.constant 127 : i32
      %and3A_286 = vector.broadcast %and3A_285 : i32 to vector<16xi32>
      %and3A_287 = arith.andi %get3A_253, %and3A_286 : vector<16xi32>
      %swap3A_288 = arith.index_cast %scan3A_250 : i32 to index
      %swap3A_289 = tpu.vector_load %arg9[%swap3A_288] masked %ne3A_282 {strides = array<i32>} : memref<256xi32, #tpu.memory_space<vmem>>, vector<16xi32>, vector<16xi1>
      tpu.vector_store %arg9[%swap3A_288], %and3A_287 masked %ne3A_282 {strides = array<i32>} : memref<256xi32, #tpu.memory_space<vmem>>, vector<16xi32>, vector<16xi1>
      %all_reduce_population_count3A = tpu.all_reduce %ne3A_282 {dim = 0 : i64, kind = #tpu.reduction_kind<sum>} : vector<16xi1> -> vector<16xi32>
      %reduce_max3A = arith.constant true
      %reduce_max3A_290 = vector.broadcast %reduce_max3A : i1 to vector<16xi1>
      %reduce_max3A_291 = arith.constant -2147483648 : i32
      %reduce_max3A_292 = vector.broadcast %reduce_max3A_291 : i32 to vector<16xi32>
      %reduce_max3A_293 = arith.xori %all_reduce_population_count3A, %reduce_max3A_292 : vector<16xi32>
      %reduce_max3A_294 = tpu.scan <max>, %reduce_max3A_293 masked %reduce_max3A_290 : vector<16xi32>, vector<16xi1> -> vector<16xi32>
      %reduce_max3A_295 = arith.xori %reduce_max3A_294, %reduce_max3A_292 : vector<16xi32>
      %reduce_max3A_296 = vector.extract %reduce_max3A_295[15] : i32 from vector<16xi32>
      %add3A_297 = arith.addi %scan3A_250, %reduce_max3A_296 : i32
      scf.yield %add3A_297 : i32
    }
    %scan3A_153 = arith.constant 16 : i32
    %gt3A = arith.constant 0 : i32
    %gt3A_154 = arith.cmpi sgt, %scan3A_152, %gt3A : i32
    %convert_element_type3A = arith.extui %gt3A_154 : i1 to i32
    %cond3A = arith.constant 0 : i32
    %cond3A_155 = arith.cmpi ne, %convert_element_type3A, %cond3A : i32
    scf.if %cond3A_155 {
      %dma_start3A_249 = arith.constant 0 : i32
      %dma_start3A_250 = arith.constant 0 : i32
      %dma_start3A_251 = tpu.memref_slice %arg10[%dma_start3A_249, %dma_start3A_250] : memref<256x128xf32, #tpu.memory_space<vmem>> -> memref<32x128xf32, #tpu.memory_space<vmem>>
      %dma_start3A_252 = arith.constant 0 : i32
      %dma_start3A_253 = tpu.memref_slice %arg8[%dma_start3A_252] : memref<256xi32, #tpu.memory_space<vmem>> -> memref<32xi32, #tpu.memory_space<vmem>>
      %dma_start3A_254 = tpu.memref_reshape %arg2 : memref<2x256x250x8x128xf32, #tpu.memory_space<hbm>> -> memref<1024000x128xf32, #tpu.memory_space<hbm>>
      %dma_start3A_255 = arith.constant 0 : i32
      %dma_start3A_256 = arith.constant 0 : i32
      %dma_start3A_257 = tpu.memref_slice %dma_start3A_254[%dma_start3A_255, %dma_start3A_256] : memref<1024000x128xf32, #tpu.memory_space<hbm>> -> memref<1024000x128xf32, #tpu.memory_space<hbm>>
      tpu.enqueue_indirect_dma source(%dma_start3A_257 : memref<1024000x128xf32, #tpu.memory_space<hbm>>) target(%dma_start3A_251 : memref<32x128xf32, #tpu.memory_space<vmem>>) offsets(%dma_start3A_253 : memref<32xi32, #tpu.memory_space<vmem>>) semaphore(%arg17 : memref<!tpu.dma_semaphore, #tpu.memory_space<semaphore_mem>>)
    } else {
    }
    %gt3A_156 = arith.constant 32 : i32
    %gt3A_157 = arith.cmpi sgt, %scan3A_152, %gt3A_156 : i32
    %convert_element_type3A_158 = arith.extui %gt3A_157 : i1 to i32
    %cond3A_159 = arith.constant 0 : i32
    %cond3A_160 = arith.cmpi ne, %convert_element_type3A_158, %cond3A_159 : i32
    scf.if %cond3A_160 {
      %dma_start3A_249 = arith.constant 32 : i32
      %dma_start3A_250 = arith.constant 0 : i32
      %dma_start3A_251 = tpu.memref_slice %arg10[%dma_start3A_249, %dma_start3A_250] : memref<256x128xf32, #tpu.memory_space<vmem>> -> memref<32x128xf32, #tpu.memory_space<vmem>>
      %dma_start3A_252 = arith.constant 32 : i32
      %dma_start3A_253 = tpu.memref_slice %arg8[%dma_start3A_252] : memref<256xi32, #tpu.memory_space<vmem>> -> memref<32xi32, #tpu.memory_space<vmem>>
      %dma_start3A_254 = tpu.memref_reshape %arg2 : memref<2x256x250x8x128xf32, #tpu.memory_space<hbm>> -> memref<1024000x128xf32, #tpu.memory_space<hbm>>
      %dma_start3A_255 = arith.constant 0 : i32
      %dma_start3A_256 = arith.constant 0 : i32
      %dma_start3A_257 = tpu.memref_slice %dma_start3A_254[%dma_start3A_255, %dma_start3A_256] : memref<1024000x128xf32, #tpu.memory_space<hbm>> -> memref<1024000x128xf32, #tpu.memory_space<hbm>>
      tpu.enqueue_indirect_dma source(%dma_start3A_257 : memref<1024000x128xf32, #tpu.memory_space<hbm>>) target(%dma_start3A_251 : memref<32x128xf32, #tpu.memory_space<vmem>>) offsets(%dma_start3A_253 : memref<32xi32, #tpu.memory_space<vmem>>) semaphore(%arg18 : memref<!tpu.dma_semaphore, #tpu.memory_space<semaphore_mem>>)
    } else {
    }
    %gt3A_161 = arith.constant 64 : i32
    %gt3A_162 = arith.cmpi sgt, %scan3A_152, %gt3A_161 : i32
    %convert_element_type3A_163 = arith.extui %gt3A_162 : i1 to i32
    %cond3A_164 = arith.constant 0 : i32
    %cond3A_165 = arith.cmpi ne, %convert_element_type3A_163, %cond3A_164 : i32
    scf.if %cond3A_165 {
      %dma_start3A_249 = arith.constant 64 : i32
      %dma_start3A_250 = arith.constant 0 : i32
      %dma_start3A_251 = tpu.memref_slice %arg10[%dma_start3A_249, %dma_start3A_250] : memref<256x128xf32, #tpu.memory_space<vmem>> -> memref<32x128xf32, #tpu.memory_space<vmem>>
      %dma_start3A_252 = arith.constant 64 : i32
      %dma_start3A_253 = tpu.memref_slice %arg8[%dma_start3A_252] : memref<256xi32, #tpu.memory_space<vmem>> -> memref<32xi32, #tpu.memory_space<vmem>>
      %dma_start3A_254 = tpu.memref_reshape %arg2 : memref<2x256x250x8x128xf32, #tpu.memory_space<hbm>> -> memref<1024000x128xf32, #tpu.memory_space<hbm>>
      %dma_start3A_255 = arith.constant 0 : i32
      %dma_start3A_256 = arith.constant 0 : i32
      %dma_start3A_257 = tpu.memref_slice %dma_start3A_254[%dma_start3A_255, %dma_start3A_256] : memref<1024000x128xf32, #tpu.memory_space<hbm>> -> memref<1024000x128xf32, #tpu.memory_space<hbm>>
      tpu.enqueue_indirect_dma source(%dma_start3A_257 : memref<1024000x128xf32, #tpu.memory_space<hbm>>) target(%dma_start3A_251 : memref<32x128xf32, #tpu.memory_space<vmem>>) offsets(%dma_start3A_253 : memref<32xi32, #tpu.memory_space<vmem>>) semaphore(%arg19 : memref<!tpu.dma_semaphore, #tpu.memory_space<semaphore_mem>>)
    } else {
    }
    %gt3A_166 = arith.constant 96 : i32
    %gt3A_167 = arith.cmpi sgt, %scan3A_152, %gt3A_166 : i32
    %convert_element_type3A_168 = arith.extui %gt3A_167 : i1 to i32
    %cond3A_169 = arith.constant 0 : i32
    %cond3A_170 = arith.cmpi ne, %convert_element_type3A_168, %cond3A_169 : i32
    scf.if %cond3A_170 {
      %dma_start3A_249 = arith.constant 96 : i32
      %dma_start3A_250 = arith.constant 0 : i32
      %dma_start3A_251 = tpu.memref_slice %arg10[%dma_start3A_249, %dma_start3A_250] : memref<256x128xf32, #tpu.memory_space<vmem>> -> memref<32x128xf32, #tpu.memory_space<vmem>>
      %dma_start3A_252 = arith.constant 96 : i32
      %dma_start3A_253 = tpu.memref_slice %arg8[%dma_start3A_252] : memref<256xi32, #tpu.memory_space<vmem>> -> memref<32xi32, #tpu.memory_space<vmem>>
      %dma_start3A_254 = tpu.memref_reshape %arg2 : memref<2x256x250x8x128xf32, #tpu.memory_space<hbm>> -> memref<1024000x128xf32, #tpu.memory_space<hbm>>
      %dma_start3A_255 = arith.constant 0 : i32
      %dma_start3A_256 = arith.constant 0 : i32
      %dma_start3A_257 = tpu.memref_slice %dma_start3A_254[%dma_start3A_255, %dma_start3A_256] : memref<1024000x128xf32, #tpu.memory_space<hbm>> -> memref<1024000x128xf32, #tpu.memory_space<hbm>>
      tpu.enqueue_indirect_dma source(%dma_start3A_257 : memref<1024000x128xf32, #tpu.memory_space<hbm>>) target(%dma_start3A_251 : memref<32x128xf32, #tpu.memory_space<vmem>>) offsets(%dma_start3A_253 : memref<32xi32, #tpu.memory_space<vmem>>) semaphore(%arg20 : memref<!tpu.dma_semaphore, #tpu.memory_space<semaphore_mem>>)
    } else {
    }
    %gt3A_171 = arith.constant 128 : i32
    %gt3A_172 = arith.cmpi sgt, %scan3A_152, %gt3A_171 : i32
    %convert_element_type3A_173 = arith.extui %gt3A_172 : i1 to i32
    %cond3A_174 = arith.constant 0 : i32
    %cond3A_175 = arith.cmpi ne, %convert_element_type3A_173, %cond3A_174 : i32
    scf.if %cond3A_175 {
      %dma_start3A_249 = arith.constant 128 : i32
      %dma_start3A_250 = arith.constant 0 : i32
      %dma_start3A_251 = tpu.memref_slice %arg10[%dma_start3A_249, %dma_start3A_250] : memref<256x128xf32, #tpu.memory_space<vmem>> -> memref<32x128xf32, #tpu.memory_space<vmem>>
      %dma_start3A_252 = arith.constant 128 : i32
      %dma_start3A_253 = tpu.memref_slice %arg8[%dma_start3A_252] : memref<256xi32, #tpu.memory_space<vmem>> -> memref<32xi32, #tpu.memory_space<vmem>>
      %dma_start3A_254 = tpu.memref_reshape %arg2 : memref<2x256x250x8x128xf32, #tpu.memory_space<hbm>> -> memref<1024000x128xf32, #tpu.memory_space<hbm>>
      %dma_start3A_255 = arith.constant 0 : i32
      %dma_start3A_256 = arith.constant 0 : i32
      %dma_start3A_257 = tpu.memref_slice %dma_start3A_254[%dma_start3A_255, %dma_start3A_256] : memref<1024000x128xf32, #tpu.memory_space<hbm>> -> memref<1024000x128xf32, #tpu.memory_space<hbm>>
      tpu.enqueue_indirect_dma source(%dma_start3A_257 : memref<1024000x128xf32, #tpu.memory_space<hbm>>) target(%dma_start3A_251 : memref<32x128xf32, #tpu.memory_space<vmem>>) offsets(%dma_start3A_253 : memref<32xi32, #tpu.memory_space<vmem>>) semaphore(%arg21 : memref<!tpu.dma_semaphore, #tpu.memory_space<semaphore_mem>>)
    } else {
    }
    %gt3A_176 = arith.constant 160 : i32
    %gt3A_177 = arith.cmpi sgt, %scan3A_152, %gt3A_176 : i32
    %convert_element_type3A_178 = arith.extui %gt3A_177 : i1 to i32
    %cond3A_179 = arith.constant 0 : i32
    %cond3A_180 = arith.cmpi ne, %convert_element_type3A_178, %cond3A_179 : i32
    scf.if %cond3A_180 {
      %dma_start3A_249 = arith.constant 160 : i32
      %dma_start3A_250 = arith.constant 0 : i32
      %dma_start3A_251 = tpu.memref_slice %arg10[%dma_start3A_249, %dma_start3A_250] : memref<256x128xf32, #tpu.memory_space<vmem>> -> memref<32x128xf32, #tpu.memory_space<vmem>>
      %dma_start3A_252 = arith.constant 160 : i32
      %dma_start3A_253 = tpu.memref_slice %arg8[%dma_start3A_252] : memref<256xi32, #tpu.memory_space<vmem>> -> memref<32xi32, #tpu.memory_space<vmem>>
      %dma_start3A_254 = tpu.memref_reshape %arg2 : memref<2x256x250x8x128xf32, #tpu.memory_space<hbm>> -> memref<1024000x128xf32, #tpu.memory_space<hbm>>
      %dma_start3A_255 = arith.constant 0 : i32
      %dma_start3A_256 = arith.constant 0 : i32
      %dma_start3A_257 = tpu.memref_slice %dma_start3A_254[%dma_start3A_255, %dma_start3A_256] : memref<1024000x128xf32, #tpu.memory_space<hbm>> -> memref<1024000x128xf32, #tpu.memory_space<hbm>>
      tpu.enqueue_indirect_dma source(%dma_start3A_257 : memref<1024000x128xf32, #tpu.memory_space<hbm>>) target(%dma_start3A_251 : memref<32x128xf32, #tpu.memory_space<vmem>>) offsets(%dma_start3A_253 : memref<32xi32, #tpu.memory_space<vmem>>) semaphore(%arg22 : memref<!tpu.dma_semaphore, #tpu.memory_space<semaphore_mem>>)
    } else {
    }
    %gt3A_181 = arith.constant 192 : i32
    %gt3A_182 = arith.cmpi sgt, %scan3A_152, %gt3A_181 : i32
    %convert_element_type3A_183 = arith.extui %gt3A_182 : i1 to i32
    %cond3A_184 = arith.constant 0 : i32
    %cond3A_185 = arith.cmpi ne, %convert_element_type3A_183, %cond3A_184 : i32
    scf.if %cond3A_185 {
      %dma_start3A_249 = arith.constant 192 : i32
      %dma_start3A_250 = arith.constant 0 : i32
      %dma_start3A_251 = tpu.memref_slice %arg10[%dma_start3A_249, %dma_start3A_250] : memref<256x128xf32, #tpu.memory_space<vmem>> -> memref<32x128xf32, #tpu.memory_space<vmem>>
      %dma_start3A_252 = arith.constant 192 : i32
      %dma_start3A_253 = tpu.memref_slice %arg8[%dma_start3A_252] : memref<256xi32, #tpu.memory_space<vmem>> -> memref<32xi32, #tpu.memory_space<vmem>>
      %dma_start3A_254 = tpu.memref_reshape %arg2 : memref<2x256x250x8x128xf32, #tpu.memory_space<hbm>> -> memref<1024000x128xf32, #tpu.memory_space<hbm>>
      %dma_start3A_255 = arith.constant 0 : i32
      %dma_start3A_256 = arith.constant 0 : i32
      %dma_start3A_257 = tpu.memref_slice %dma_start3A_254[%dma_start3A_255, %dma_start3A_256] : memref<1024000x128xf32, #tpu.memory_space<hbm>> -> memref<1024000x128xf32, #tpu.memory_space<hbm>>
      tpu.enqueue_indirect_dma source(%dma_start3A_257 : memref<1024000x128xf32, #tpu.memory_space<hbm>>) target(%dma_start3A_251 : memref<32x128xf32, #tpu.memory_space<vmem>>) offsets(%dma_start3A_253 : memref<32xi32, #tpu.memory_space<vmem>>) semaphore(%arg23 : memref<!tpu.dma_semaphore, #tpu.memory_space<semaphore_mem>>)
    } else {
    }
    %gt3A_186 = arith.constant 224 : i32
    %gt3A_187 = arith.cmpi sgt, %scan3A_152, %gt3A_186 : i32
    %convert_element_type3A_188 = arith.extui %gt3A_187 : i1 to i32
    %cond3A_189 = arith.constant 0 : i32
    %cond3A_190 = arith.cmpi ne, %convert_element_type3A_188, %cond3A_189 : i32
    scf.if %cond3A_190 {
      %dma_start3A_249 = arith.constant 224 : i32
      %dma_start3A_250 = arith.constant 0 : i32
      %dma_start3A_251 = tpu.memref_slice %arg10[%dma_start3A_249, %dma_start3A_250] : memref<256x128xf32, #tpu.memory_space<vmem>> -> memref<32x128xf32, #tpu.memory_space<vmem>>
      %dma_start3A_252 = arith.constant 224 : i32
      %dma_start3A_253 = tpu.memref_slice %arg8[%dma_start3A_252] : memref<256xi32, #tpu.memory_space<vmem>> -> memref<32xi32, #tpu.memory_space<vmem>>
      %dma_start3A_254 = tpu.memref_reshape %arg2 : memref<2x256x250x8x128xf32, #tpu.memory_space<hbm>> -> memref<1024000x128xf32, #tpu.memory_space<hbm>>
      %dma_start3A_255 = arith.constant 0 : i32
      %dma_start3A_256 = arith.constant 0 : i32
      %dma_start3A_257 = tpu.memref_slice %dma_start3A_254[%dma_start3A_255, %dma_start3A_256] : memref<1024000x128xf32, #tpu.memory_space<hbm>> -> memref<1024000x128xf32, #tpu.memory_space<hbm>>
      tpu.enqueue_indirect_dma source(%dma_start3A_257 : memref<1024000x128xf32, #tpu.memory_space<hbm>>) target(%dma_start3A_251 : memref<32x128xf32, #tpu.memory_space<vmem>>) offsets(%dma_start3A_253 : memref<32xi32, #tpu.memory_space<vmem>>) semaphore(%arg24 : memref<!tpu.dma_semaphore, #tpu.memory_space<semaphore_mem>>)
    } else {
    }
    %broadcast_in_dim3A_191 = arith.constant 0.000000e+00 : f32
    %broadcast_in_dim3A_192 = vector.broadcast %broadcast_in_dim3A_191 : f32 to vector<16xf32>
    %swap3A = arith.constant 0 : index
    %swap3A_193 = tpu.vector_load %arg11[%swap3A] {strides = array<i32>} : memref<128xf32, #tpu.memory_space<vmem>>, vector<16xf32>,
    tpu.vector_store %arg11[%swap3A], %broadcast_in_dim3A_192 {strides = array<i32>} : memref<128xf32, #tpu.memory_space<vmem>>, vector<16xf32>,
    %gt3A_194 = arith.constant 0 : i32
    %gt3A_195 = arith.cmpi sgt, %scan3A_152, %gt3A_194 : i32
    %convert_element_type3A_196 = arith.extui %gt3A_195 : i1 to i32
    %cond3A_197 = arith.constant 0 : i32
    %cond3A_198 = arith.cmpi ne, %convert_element_type3A_196, %cond3A_197 : i32
    scf.if %cond3A_198 {
      %dma_wait3A_249 = arith.constant 0 : i32
      %dma_wait3A_250 = arith.constant 0 : i32
      %dma_wait3A_251 = tpu.memref_slice %arg10[%dma_wait3A_249, %dma_wait3A_250] : memref<256x128xf32, #tpu.memory_space<vmem>> -> memref<32x128xf32, #tpu.memory_space<vmem>>
      %dma_wait3A_252 = arith.constant 0 : i32
      %dma_wait3A_253 = tpu.memref_slice %arg8[%dma_wait3A_252] : memref<256xi32, #tpu.memory_space<vmem>> -> memref<32xi32, #tpu.memory_space<vmem>>
      %dma_wait3A_254 = tpu.memref_reshape %arg2 : memref<2x256x250x8x128xf32, #tpu.memory_space<hbm>> -> memref<1024000x128xf32, #tpu.memory_space<hbm>>
      %dma_wait3A_255 = arith.constant 0 : i32
      %dma_wait3A_256 = arith.constant 0 : i32
      %dma_wait3A_257 = tpu.memref_slice %dma_wait3A_254[%dma_wait3A_255, %dma_wait3A_256] : memref<1024000x128xf32, #tpu.memory_space<hbm>> -> memref<1024000x128xf32, #tpu.memory_space<hbm>>
      tpu.wait_indirect_dma semaphore(%arg17 : memref<!tpu.dma_semaphore, #tpu.memory_space<semaphore_mem>>) src(%dma_wait3A_257 : memref<1024000x128xf32, #tpu.memory_space<hbm>>) dst(%dma_wait3A_251 : memref<32x128xf32, #tpu.memory_space<vmem>>)
      %broadcast_in_dim3A_258 = arith.constant 0.000000e+00 : f32
      %broadcast_in_dim3A_259 = vector.broadcast %broadcast_in_dim3A_258 : f32 to vector<16xf32>
      %add3A_260 = arith.constant 0 : i32
      %add3A_261 = vector.broadcast %add3A_260 : i32 to vector<16xi32>
      %add3A_262 = arith.addi %add3A_261, %iota3A : vector<16xi32>
      %get3A = arith.constant 0 : index
      %get3A_263 = tpu.vector_load %arg9[%get3A] {strides = array<i32>} : memref<256xi32, #tpu.memory_space<vmem>>, vector<16xi32>,
      %and3A_264 = arith.constant 127 : i32
      %and3A_265 = vector.broadcast %and3A_264 : i32 to vector<16xi32>
      %and3A_266 = arith.andi %get3A_263, %and3A_265 : vector<16xi32>
      %gather3A = tpu.vector_load_idx %arg10[%add3A_262, %and3A_266] : memref<256x128xf32, #tpu.memory_space<vmem>>[vector<16xi32>, vector<16xi32>], vector<16xf32>,
      %lt3A_267 = vector.broadcast %scan3A_152 : i32 to vector<16xi32>
      %lt3A_268 = arith.cmpi slt, %add3A_262, %lt3A_267 : vector<16xi32>
      %jit3A_269 = arith.constant 0.000000e+00 : f32
      %broadcast_in_dim3A_270 = vector.broadcast %jit3A_269 : f32 to vector<16xf32>
      %select_n3A_271 = arith.select %lt3A_268, %gather3A, %broadcast_in_dim3A_270 : vector<16xi1>, vector<16xf32>
      %add3A_272 = arith.addf %broadcast_in_dim3A_259, %select_n3A_271 : vector<16xf32>
      %add3A_273 = arith.constant 16 : i32
      %add3A_274 = vector.broadcast %add3A_273 : i32 to vector<16xi32>
      %add3A_275 = arith.addi %add3A_274, %iota3A : vector<16xi32>
      %get3A_276 = arith.constant 16 : index
      %get3A_277 = tpu.vector_load %arg9[%get3A_276] {strides = array<i32>} : memref<256xi32, #tpu.memory_space<vmem>>, vector<16xi32>,
      %and3A_278 = arith.constant 127 : i32
      %and3A_279 = vector.broadcast %and3A_278 : i32 to vector<16xi32>
      %and3A_280 = arith.andi %get3A_277, %and3A_279 : vector<16xi32>
      %gather3A_281 = tpu.vector_load_idx %arg10[%add3A_275, %and3A_280] : memref<256x128xf32, #tpu.memory_space<vmem>>[vector<16xi32>, vector<16xi32>], vector<16xf32>,
      %lt3A_282 = vector.broadcast %scan3A_152 : i32 to vector<16xi32>
      %lt3A_283 = arith.cmpi slt, %add3A_275, %lt3A_282 : vector<16xi32>
      %jit3A_284 = arith.constant 0.000000e+00 : f32
      %broadcast_in_dim3A_285 = vector.broadcast %jit3A_284 : f32 to vector<16xf32>
      %select_n3A_286 = arith.select %lt3A_283, %gather3A_281, %broadcast_in_dim3A_285 : vector<16xi1>, vector<16xf32>
      %add3A_287 = arith.addf %add3A_272, %select_n3A_286 : vector<16xf32>
      %get3A_288 = arith.constant 0 : index
      %get3A_289 = tpu.vector_load %arg11[%get3A_288] {strides = array<i32>} : memref<128xf32, #tpu.memory_space<vmem>>, vector<16xf32>,
      %sub3A_290 = arith.subf %get3A_289, %add3A_287 : vector<16xf32>
      %swap3A_291 = arith.constant 0 : index
      %swap3A_292 = tpu.vector_load %arg11[%swap3A_291] {strides = array<i32>} : memref<128xf32, #tpu.memory_space<vmem>>, vector<16xf32>,
      tpu.vector_store %arg11[%swap3A_291], %sub3A_290 {strides = array<i32>} : memref<128xf32, #tpu.memory_space<vmem>>, vector<16xf32>,
    } else {
    }
    %gt3A_199 = arith.constant 32 : i32
    %gt3A_200 = arith.cmpi sgt, %scan3A_152, %gt3A_199 : i32
    %convert_element_type3A_201 = arith.extui %gt3A_200 : i1 to i32
    %cond3A_202 = arith.constant 0 : i32
    %cond3A_203 = arith.cmpi ne, %convert_element_type3A_201, %cond3A_202 : i32
    scf.if %cond3A_203 {
      %dma_wait3A_249 = arith.constant 32 : i32
      %dma_wait3A_250 = arith.constant 0 : i32
      %dma_wait3A_251 = tpu.memref_slice %arg10[%dma_wait3A_249, %dma_wait3A_250] : memref<256x128xf32, #tpu.memory_space<vmem>> -> memref<32x128xf32, #tpu.memory_space<vmem>>
      %dma_wait3A_252 = arith.constant 32 : i32
      %dma_wait3A_253 = tpu.memref_slice %arg8[%dma_wait3A_252] : memref<256xi32, #tpu.memory_space<vmem>> -> memref<32xi32, #tpu.memory_space<vmem>>
      %dma_wait3A_254 = tpu.memref_reshape %arg2 : memref<2x256x250x8x128xf32, #tpu.memory_space<hbm>> -> memref<1024000x128xf32, #tpu.memory_space<hbm>>
      %dma_wait3A_255 = arith.constant 0 : i32
      %dma_wait3A_256 = arith.constant 0 : i32
      %dma_wait3A_257 = tpu.memref_slice %dma_wait3A_254[%dma_wait3A_255, %dma_wait3A_256] : memref<1024000x128xf32, #tpu.memory_space<hbm>> -> memref<1024000x128xf32, #tpu.memory_space<hbm>>
      tpu.wait_indirect_dma semaphore(%arg18 : memref<!tpu.dma_semaphore, #tpu.memory_space<semaphore_mem>>) src(%dma_wait3A_257 : memref<1024000x128xf32, #tpu.memory_space<hbm>>) dst(%dma_wait3A_251 : memref<32x128xf32, #tpu.memory_space<vmem>>)
      %broadcast_in_dim3A_258 = arith.constant 0.000000e+00 : f32
      %broadcast_in_dim3A_259 = vector.broadcast %broadcast_in_dim3A_258 : f32 to vector<16xf32>
      %add3A_260 = arith.constant 32 : i32
      %add3A_261 = vector.broadcast %add3A_260 : i32 to vector<16xi32>
      %add3A_262 = arith.addi %add3A_261, %iota3A : vector<16xi32>
      %get3A = arith.constant 32 : index
      %get3A_263 = tpu.vector_load %arg9[%get3A] {strides = array<i32>} : memref<256xi32, #tpu.memory_space<vmem>>, vector<16xi32>,
      %and3A_264 = arith.constant 127 : i32
      %and3A_265 = vector.broadcast %and3A_264 : i32 to vector<16xi32>
      %and3A_266 = arith.andi %get3A_263, %and3A_265 : vector<16xi32>
      %gather3A = tpu.vector_load_idx %arg10[%add3A_262, %and3A_266] : memref<256x128xf32, #tpu.memory_space<vmem>>[vector<16xi32>, vector<16xi32>], vector<16xf32>,
      %lt3A_267 = vector.broadcast %scan3A_152 : i32 to vector<16xi32>
      %lt3A_268 = arith.cmpi slt, %add3A_262, %lt3A_267 : vector<16xi32>
      %jit3A_269 = arith.constant 0.000000e+00 : f32
      %broadcast_in_dim3A_270 = vector.broadcast %jit3A_269 : f32 to vector<16xf32>
      %select_n3A_271 = arith.select %lt3A_268, %gather3A, %broadcast_in_dim3A_270 : vector<16xi1>, vector<16xf32>
      %add3A_272 = arith.addf %broadcast_in_dim3A_259, %select_n3A_271 : vector<16xf32>
      %add3A_273 = arith.constant 48 : i32
      %add3A_274 = vector.broadcast %add3A_273 : i32 to vector<16xi32>
      %add3A_275 = arith.addi %add3A_274, %iota3A : vector<16xi32>
      %get3A_276 = arith.constant 48 : index
      %get3A_277 = tpu.vector_load %arg9[%get3A_276] {strides = array<i32>} : memref<256xi32, #tpu.memory_space<vmem>>, vector<16xi32>,
      %and3A_278 = arith.constant 127 : i32
      %and3A_279 = vector.broadcast %and3A_278 : i32 to vector<16xi32>
      %and3A_280 = arith.andi %get3A_277, %and3A_279 : vector<16xi32>
      %gather3A_281 = tpu.vector_load_idx %arg10[%add3A_275, %and3A_280] : memref<256x128xf32, #tpu.memory_space<vmem>>[vector<16xi32>, vector<16xi32>], vector<16xf32>,
      %lt3A_282 = vector.broadcast %scan3A_152 : i32 to vector<16xi32>
      %lt3A_283 = arith.cmpi slt, %add3A_275, %lt3A_282 : vector<16xi32>
      %jit3A_284 = arith.constant 0.000000e+00 : f32
      %broadcast_in_dim3A_285 = vector.broadcast %jit3A_284 : f32 to vector<16xf32>
      %select_n3A_286 = arith.select %lt3A_283, %gather3A_281, %broadcast_in_dim3A_285 : vector<16xi1>, vector<16xf32>
      %add3A_287 = arith.addf %add3A_272, %select_n3A_286 : vector<16xf32>
      %get3A_288 = arith.constant 0 : index
      %get3A_289 = tpu.vector_load %arg11[%get3A_288] {strides = array<i32>} : memref<128xf32, #tpu.memory_space<vmem>>, vector<16xf32>,
      %sub3A_290 = arith.subf %get3A_289, %add3A_287 : vector<16xf32>
      %swap3A_291 = arith.constant 0 : index
      %swap3A_292 = tpu.vector_load %arg11[%swap3A_291] {strides = array<i32>} : memref<128xf32, #tpu.memory_space<vmem>>, vector<16xf32>,
      tpu.vector_store %arg11[%swap3A_291], %sub3A_290 {strides = array<i32>} : memref<128xf32, #tpu.memory_space<vmem>>, vector<16xf32>,
    } else {
    }
    %gt3A_204 = arith.constant 64 : i32
    %gt3A_205 = arith.cmpi sgt, %scan3A_152, %gt3A_204 : i32
    %convert_element_type3A_206 = arith.extui %gt3A_205 : i1 to i32
    %cond3A_207 = arith.constant 0 : i32
    %cond3A_208 = arith.cmpi ne, %convert_element_type3A_206, %cond3A_207 : i32
    scf.if %cond3A_208 {
      %dma_wait3A_249 = arith.constant 64 : i32
      %dma_wait3A_250 = arith.constant 0 : i32
      %dma_wait3A_251 = tpu.memref_slice %arg10[%dma_wait3A_249, %dma_wait3A_250] : memref<256x128xf32, #tpu.memory_space<vmem>> -> memref<32x128xf32, #tpu.memory_space<vmem>>
      %dma_wait3A_252 = arith.constant 64 : i32
      %dma_wait3A_253 = tpu.memref_slice %arg8[%dma_wait3A_252] : memref<256xi32, #tpu.memory_space<vmem>> -> memref<32xi32, #tpu.memory_space<vmem>>
      %dma_wait3A_254 = tpu.memref_reshape %arg2 : memref<2x256x250x8x128xf32, #tpu.memory_space<hbm>> -> memref<1024000x128xf32, #tpu.memory_space<hbm>>
      %dma_wait3A_255 = arith.constant 0 : i32
      %dma_wait3A_256 = arith.constant 0 : i32
      %dma_wait3A_257 = tpu.memref_slice %dma_wait3A_254[%dma_wait3A_255, %dma_wait3A_256] : memref<1024000x128xf32, #tpu.memory_space<hbm>> -> memref<1024000x128xf32, #tpu.memory_space<hbm>>
      tpu.wait_indirect_dma semaphore(%arg19 : memref<!tpu.dma_semaphore, #tpu.memory_space<semaphore_mem>>) src(%dma_wait3A_257 : memref<1024000x128xf32, #tpu.memory_space<hbm>>) dst(%dma_wait3A_251 : memref<32x128xf32, #tpu.memory_space<vmem>>)
      %broadcast_in_dim3A_258 = arith.constant 0.000000e+00 : f32
      %broadcast_in_dim3A_259 = vector.broadcast %broadcast_in_dim3A_258 : f32 to vector<16xf32>
      %add3A_260 = arith.constant 64 : i32
      %add3A_261 = vector.broadcast %add3A_260 : i32 to vector<16xi32>
      %add3A_262 = arith.addi %add3A_261, %iota3A : vector<16xi32>
      %get3A = arith.constant 64 : index
      %get3A_263 = tpu.vector_load %arg9[%get3A] {strides = array<i32>} : memref<256xi32, #tpu.memory_space<vmem>>, vector<16xi32>,
      %and3A_264 = arith.constant 127 : i32
      %and3A_265 = vector.broadcast %and3A_264 : i32 to vector<16xi32>
      %and3A_266 = arith.andi %get3A_263, %and3A_265 : vector<16xi32>
      %gather3A = tpu.vector_load_idx %arg10[%add3A_262, %and3A_266] : memref<256x128xf32, #tpu.memory_space<vmem>>[vector<16xi32>, vector<16xi32>], vector<16xf32>,
      %lt3A_267 = vector.broadcast %scan3A_152 : i32 to vector<16xi32>
      %lt3A_268 = arith.cmpi slt, %add3A_262, %lt3A_267 : vector<16xi32>
      %jit3A_269 = arith.constant 0.000000e+00 : f32
      %broadcast_in_dim3A_270 = vector.broadcast %jit3A_269 : f32 to vector<16xf32>
      %select_n3A_271 = arith.select %lt3A_268, %gather3A, %broadcast_in_dim3A_270 : vector<16xi1>, vector<16xf32>
      %add3A_272 = arith.addf %broadcast_in_dim3A_259, %select_n3A_271 : vector<16xf32>
      %add3A_273 = arith.constant 80 : i32
      %add3A_274 = vector.broadcast %add3A_273 : i32 to vector<16xi32>
      %add3A_275 = arith.addi %add3A_274, %iota3A : vector<16xi32>
      %get3A_276 = arith.constant 80 : index
      %get3A_277 = tpu.vector_load %arg9[%get3A_276] {strides = array<i32>} : memref<256xi32, #tpu.memory_space<vmem>>, vector<16xi32>,
      %and3A_278 = arith.constant 127 : i32
      %and3A_279 = vector.broadcast %and3A_278 : i32 to vector<16xi32>
      %and3A_280 = arith.andi %get3A_277, %and3A_279 : vector<16xi32>
      %gather3A_281 = tpu.vector_load_idx %arg10[%add3A_275, %and3A_280] : memref<256x128xf32, #tpu.memory_space<vmem>>[vector<16xi32>, vector<16xi32>], vector<16xf32>,
      %lt3A_282 = vector.broadcast %scan3A_152 : i32 to vector<16xi32>
      %lt3A_283 = arith.cmpi slt, %add3A_275, %lt3A_282 : vector<16xi32>
      %jit3A_284 = arith.constant 0.000000e+00 : f32
      %broadcast_in_dim3A_285 = vector.broadcast %jit3A_284 : f32 to vector<16xf32>
      %select_n3A_286 = arith.select %lt3A_283, %gather3A_281, %broadcast_in_dim3A_285 : vector<16xi1>, vector<16xf32>
      %add3A_287 = arith.addf %add3A_272, %select_n3A_286 : vector<16xf32>
      %get3A_288 = arith.constant 0 : index
      %get3A_289 = tpu.vector_load %arg11[%get3A_288] {strides = array<i32>} : memref<128xf32, #tpu.memory_space<vmem>>, vector<16xf32>,
      %sub3A_290 = arith.subf %get3A_289, %add3A_287 : vector<16xf32>
      %swap3A_291 = arith.constant 0 : index
      %swap3A_292 = tpu.vector_load %arg11[%swap3A_291] {strides = array<i32>} : memref<128xf32, #tpu.memory_space<vmem>>, vector<16xf32>,
      tpu.vector_store %arg11[%swap3A_291], %sub3A_290 {strides = array<i32>} : memref<128xf32, #tpu.memory_space<vmem>>, vector<16xf32>,
    } else {
    }
    %gt3A_209 = arith.constant 96 : i32
    %gt3A_210 = arith.cmpi sgt, %scan3A_152, %gt3A_209 : i32
    %convert_element_type3A_211 = arith.extui %gt3A_210 : i1 to i32
    %cond3A_212 = arith.constant 0 : i32
    %cond3A_213 = arith.cmpi ne, %convert_element_type3A_211, %cond3A_212 : i32
    scf.if %cond3A_213 {
      %dma_wait3A_249 = arith.constant 96 : i32
      %dma_wait3A_250 = arith.constant 0 : i32
      %dma_wait3A_251 = tpu.memref_slice %arg10[%dma_wait3A_249, %dma_wait3A_250] : memref<256x128xf32, #tpu.memory_space<vmem>> -> memref<32x128xf32, #tpu.memory_space<vmem>>
      %dma_wait3A_252 = arith.constant 96 : i32
      %dma_wait3A_253 = tpu.memref_slice %arg8[%dma_wait3A_252] : memref<256xi32, #tpu.memory_space<vmem>> -> memref<32xi32, #tpu.memory_space<vmem>>
      %dma_wait3A_254 = tpu.memref_reshape %arg2 : memref<2x256x250x8x128xf32, #tpu.memory_space<hbm>> -> memref<1024000x128xf32, #tpu.memory_space<hbm>>
      %dma_wait3A_255 = arith.constant 0 : i32
      %dma_wait3A_256 = arith.constant 0 : i32
      %dma_wait3A_257 = tpu.memref_slice %dma_wait3A_254[%dma_wait3A_255, %dma_wait3A_256] : memref<1024000x128xf32, #tpu.memory_space<hbm>> -> memref<1024000x128xf32, #tpu.memory_space<hbm>>
      tpu.wait_indirect_dma semaphore(%arg20 : memref<!tpu.dma_semaphore, #tpu.memory_space<semaphore_mem>>) src(%dma_wait3A_257 : memref<1024000x128xf32, #tpu.memory_space<hbm>>) dst(%dma_wait3A_251 : memref<32x128xf32, #tpu.memory_space<vmem>>)
      %broadcast_in_dim3A_258 = arith.constant 0.000000e+00 : f32
      %broadcast_in_dim3A_259 = vector.broadcast %broadcast_in_dim3A_258 : f32 to vector<16xf32>
      %add3A_260 = arith.constant 96 : i32
      %add3A_261 = vector.broadcast %add3A_260 : i32 to vector<16xi32>
      %add3A_262 = arith.addi %add3A_261, %iota3A : vector<16xi32>
      %get3A = arith.constant 96 : index
      %get3A_263 = tpu.vector_load %arg9[%get3A] {strides = array<i32>} : memref<256xi32, #tpu.memory_space<vmem>>, vector<16xi32>,
      %and3A_264 = arith.constant 127 : i32
      %and3A_265 = vector.broadcast %and3A_264 : i32 to vector<16xi32>
      %and3A_266 = arith.andi %get3A_263, %and3A_265 : vector<16xi32>
      %gather3A = tpu.vector_load_idx %arg10[%add3A_262, %and3A_266] : memref<256x128xf32, #tpu.memory_space<vmem>>[vector<16xi32>, vector<16xi32>], vector<16xf32>,
      %lt3A_267 = vector.broadcast %scan3A_152 : i32 to vector<16xi32>
      %lt3A_268 = arith.cmpi slt, %add3A_262, %lt3A_267 : vector<16xi32>
      %jit3A_269 = arith.constant 0.000000e+00 : f32
      %broadcast_in_dim3A_270 = vector.broadcast %jit3A_269 : f32 to vector<16xf32>
      %select_n3A_271 = arith.select %lt3A_268, %gather3A, %broadcast_in_dim3A_270 : vector<16xi1>, vector<16xf32>
      %add3A_272 = arith.addf %broadcast_in_dim3A_259, %select_n3A_271 : vector<16xf32>
      %add3A_273 = arith.constant 112 : i32
      %add3A_274 = vector.broadcast %add3A_273 : i32 to vector<16xi32>
      %add3A_275 = arith.addi %add3A_274, %iota3A : vector<16xi32>
      %get3A_276 = arith.constant 112 : index
      %get3A_277 = tpu.vector_load %arg9[%get3A_276] {strides = array<i32>} : memref<256xi32, #tpu.memory_space<vmem>>, vector<16xi32>,
      %and3A_278 = arith.constant 127 : i32
      %and3A_279 = vector.broadcast %and3A_278 : i32 to vector<16xi32>
      %and3A_280 = arith.andi %get3A_277, %and3A_279 : vector<16xi32>
      %gather3A_281 = tpu.vector_load_idx %arg10[%add3A_275, %and3A_280] : memref<256x128xf32, #tpu.memory_space<vmem>>[vector<16xi32>, vector<16xi32>], vector<16xf32>,
      %lt3A_282 = vector.broadcast %scan3A_152 : i32 to vector<16xi32>
      %lt3A_283 = arith.cmpi slt, %add3A_275, %lt3A_282 : vector<16xi32>
      %jit3A_284 = arith.constant 0.000000e+00 : f32
      %broadcast_in_dim3A_285 = vector.broadcast %jit3A_284 : f32 to vector<16xf32>
      %select_n3A_286 = arith.select %lt3A_283, %gather3A_281, %broadcast_in_dim3A_285 : vector<16xi1>, vector<16xf32>
      %add3A_287 = arith.addf %add3A_272, %select_n3A_286 : vector<16xf32>
      %get3A_288 = arith.constant 0 : index
      %get3A_289 = tpu.vector_load %arg11[%get3A_288] {strides = array<i32>} : memref<128xf32, #tpu.memory_space<vmem>>, vector<16xf32>,
      %sub3A_290 = arith.subf %get3A_289, %add3A_287 : vector<16xf32>
      %swap3A_291 = arith.constant 0 : index
      %swap3A_292 = tpu.vector_load %arg11[%swap3A_291] {strides = array<i32>} : memref<128xf32, #tpu.memory_space<vmem>>, vector<16xf32>,
      tpu.vector_store %arg11[%swap3A_291], %sub3A_290 {strides = array<i32>} : memref<128xf32, #tpu.memory_space<vmem>>, vector<16xf32>,
    } else {
    }
    %gt3A_214 = arith.constant 128 : i32
    %gt3A_215 = arith.cmpi sgt, %scan3A_152, %gt3A_214 : i32
    %convert_element_type3A_216 = arith.extui %gt3A_215 : i1 to i32
    %cond3A_217 = arith.constant 0 : i32
    %cond3A_218 = arith.cmpi ne, %convert_element_type3A_216, %cond3A_217 : i32
    scf.if %cond3A_218 {
      %dma_wait3A_249 = arith.constant 128 : i32
      %dma_wait3A_250 = arith.constant 0 : i32
      %dma_wait3A_251 = tpu.memref_slice %arg10[%dma_wait3A_249, %dma_wait3A_250] : memref<256x128xf32, #tpu.memory_space<vmem>> -> memref<32x128xf32, #tpu.memory_space<vmem>>
      %dma_wait3A_252 = arith.constant 128 : i32
      %dma_wait3A_253 = tpu.memref_slice %arg8[%dma_wait3A_252] : memref<256xi32, #tpu.memory_space<vmem>> -> memref<32xi32, #tpu.memory_space<vmem>>
      %dma_wait3A_254 = tpu.memref_reshape %arg2 : memref<2x256x250x8x128xf32, #tpu.memory_space<hbm>> -> memref<1024000x128xf32, #tpu.memory_space<hbm>>
      %dma_wait3A_255 = arith.constant 0 : i32
      %dma_wait3A_256 = arith.constant 0 : i32
      %dma_wait3A_257 = tpu.memref_slice %dma_wait3A_254[%dma_wait3A_255, %dma_wait3A_256] : memref<1024000x128xf32, #tpu.memory_space<hbm>> -> memref<1024000x128xf32, #tpu.memory_space<hbm>>
      tpu.wait_indirect_dma semaphore(%arg21 : memref<!tpu.dma_semaphore, #tpu.memory_space<semaphore_mem>>) src(%dma_wait3A_257 : memref<1024000x128xf32, #tpu.memory_space<hbm>>) dst(%dma_wait3A_251 : memref<32x128xf32, #tpu.memory_space<vmem>>)
      %broadcast_in_dim3A_258 = arith.constant 0.000000e+00 : f32
      %broadcast_in_dim3A_259 = vector.broadcast %broadcast_in_dim3A_258 : f32 to vector<16xf32>
      %add3A_260 = arith.constant 128 : i32
      %add3A_261 = vector.broadcast %add3A_260 : i32 to vector<16xi32>
      %add3A_262 = arith.addi %add3A_261, %iota3A : vector<16xi32>
      %get3A = arith.constant 128 : index
      %get3A_263 = tpu.vector_load %arg9[%get3A] {strides = array<i32>} : memref<256xi32, #tpu.memory_space<vmem>>, vector<16xi32>,
      %and3A_264 = arith.constant 127 : i32
      %and3A_265 = vector.broadcast %and3A_264 : i32 to vector<16xi32>
      %and3A_266 = arith.andi %get3A_263, %and3A_265 : vector<16xi32>
      %gather3A = tpu.vector_load_idx %arg10[%add3A_262, %and3A_266] : memref<256x128xf32, #tpu.memory_space<vmem>>[vector<16xi32>, vector<16xi32>], vector<16xf32>,
      %lt3A_267 = vector.broadcast %scan3A_152 : i32 to vector<16xi32>
      %lt3A_268 = arith.cmpi slt, %add3A_262, %lt3A_267 : vector<16xi32>
      %jit3A_269 = arith.constant 0.000000e+00 : f32
      %broadcast_in_dim3A_270 = vector.broadcast %jit3A_269 : f32 to vector<16xf32>
      %select_n3A_271 = arith.select %lt3A_268, %gather3A, %broadcast_in_dim3A_270 : vector<16xi1>, vector<16xf32>
      %add3A_272 = arith.addf %broadcast_in_dim3A_259, %select_n3A_271 : vector<16xf32>
      %add3A_273 = arith.constant 144 : i32
      %add3A_274 = vector.broadcast %add3A_273 : i32 to vector<16xi32>
      %add3A_275 = arith.addi %add3A_274, %iota3A : vector<16xi32>
      %get3A_276 = arith.constant 144 : index
      %get3A_277 = tpu.vector_load %arg9[%get3A_276] {strides = array<i32>} : memref<256xi32, #tpu.memory_space<vmem>>, vector<16xi32>,
      %and3A_278 = arith.constant 127 : i32
      %and3A_279 = vector.broadcast %and3A_278 : i32 to vector<16xi32>
      %and3A_280 = arith.andi %get3A_277, %and3A_279 : vector<16xi32>
      %gather3A_281 = tpu.vector_load_idx %arg10[%add3A_275, %and3A_280] : memref<256x128xf32, #tpu.memory_space<vmem>>[vector<16xi32>, vector<16xi32>], vector<16xf32>,
      %lt3A_282 = vector.broadcast %scan3A_152 : i32 to vector<16xi32>
      %lt3A_283 = arith.cmpi slt, %add3A_275, %lt3A_282 : vector<16xi32>
      %jit3A_284 = arith.constant 0.000000e+00 : f32
      %broadcast_in_dim3A_285 = vector.broadcast %jit3A_284 : f32 to vector<16xf32>
      %select_n3A_286 = arith.select %lt3A_283, %gather3A_281, %broadcast_in_dim3A_285 : vector<16xi1>, vector<16xf32>
      %add3A_287 = arith.addf %add3A_272, %select_n3A_286 : vector<16xf32>
      %get3A_288 = arith.constant 0 : index
      %get3A_289 = tpu.vector_load %arg11[%get3A_288] {strides = array<i32>} : memref<128xf32, #tpu.memory_space<vmem>>, vector<16xf32>,
      %sub3A_290 = arith.subf %get3A_289, %add3A_287 : vector<16xf32>
      %swap3A_291 = arith.constant 0 : index
      %swap3A_292 = tpu.vector_load %arg11[%swap3A_291] {strides = array<i32>} : memref<128xf32, #tpu.memory_space<vmem>>, vector<16xf32>,
      tpu.vector_store %arg11[%swap3A_291], %sub3A_290 {strides = array<i32>} : memref<128xf32, #tpu.memory_space<vmem>>, vector<16xf32>,
    } else {
    }
    %gt3A_219 = arith.constant 160 : i32
    %gt3A_220 = arith.cmpi sgt, %scan3A_152, %gt3A_219 : i32
    %convert_element_type3A_221 = arith.extui %gt3A_220 : i1 to i32
    %cond3A_222 = arith.constant 0 : i32
    %cond3A_223 = arith.cmpi ne, %convert_element_type3A_221, %cond3A_222 : i32
    scf.if %cond3A_223 {
      %dma_wait3A_249 = arith.constant 160 : i32
      %dma_wait3A_250 = arith.constant 0 : i32
      %dma_wait3A_251 = tpu.memref_slice %arg10[%dma_wait3A_249, %dma_wait3A_250] : memref<256x128xf32, #tpu.memory_space<vmem>> -> memref<32x128xf32, #tpu.memory_space<vmem>>
      %dma_wait3A_252 = arith.constant 160 : i32
      %dma_wait3A_253 = tpu.memref_slice %arg8[%dma_wait3A_252] : memref<256xi32, #tpu.memory_space<vmem>> -> memref<32xi32, #tpu.memory_space<vmem>>
      %dma_wait3A_254 = tpu.memref_reshape %arg2 : memref<2x256x250x8x128xf32, #tpu.memory_space<hbm>> -> memref<1024000x128xf32, #tpu.memory_space<hbm>>
      %dma_wait3A_255 = arith.constant 0 : i32
      %dma_wait3A_256 = arith.constant 0 : i32
      %dma_wait3A_257 = tpu.memref_slice %dma_wait3A_254[%dma_wait3A_255, %dma_wait3A_256] : memref<1024000x128xf32, #tpu.memory_space<hbm>> -> memref<1024000x128xf32, #tpu.memory_space<hbm>>
      tpu.wait_indirect_dma semaphore(%arg22 : memref<!tpu.dma_semaphore, #tpu.memory_space<semaphore_mem>>) src(%dma_wait3A_257 : memref<1024000x128xf32, #tpu.memory_space<hbm>>) dst(%dma_wait3A_251 : memref<32x128xf32, #tpu.memory_space<vmem>>)
      %broadcast_in_dim3A_258 = arith.constant 0.000000e+00 : f32
      %broadcast_in_dim3A_259 = vector.broadcast %broadcast_in_dim3A_258 : f32 to vector<16xf32>
      %add3A_260 = arith.constant 160 : i32
      %add3A_261 = vector.broadcast %add3A_260 : i32 to vector<16xi32>
      %add3A_262 = arith.addi %add3A_261, %iota3A : vector<16xi32>
      %get3A = arith.constant 160 : index
      %get3A_263 = tpu.vector_load %arg9[%get3A] {strides = array<i32>} : memref<256xi32, #tpu.memory_space<vmem>>, vector<16xi32>,
      %and3A_264 = arith.constant 127 : i32
      %and3A_265 = vector.broadcast %and3A_264 : i32 to vector<16xi32>
      %and3A_266 = arith.andi %get3A_263, %and3A_265 : vector<16xi32>
      %gather3A = tpu.vector_load_idx %arg10[%add3A_262, %and3A_266] : memref<256x128xf32, #tpu.memory_space<vmem>>[vector<16xi32>, vector<16xi32>], vector<16xf32>,
      %lt3A_267 = vector.broadcast %scan3A_152 : i32 to vector<16xi32>
      %lt3A_268 = arith.cmpi slt, %add3A_262, %lt3A_267 : vector<16xi32>
      %jit3A_269 = arith.constant 0.000000e+00 : f32
      %broadcast_in_dim3A_270 = vector.broadcast %jit3A_269 : f32 to vector<16xf32>
      %select_n3A_271 = arith.select %lt3A_268, %gather3A, %broadcast_in_dim3A_270 : vector<16xi1>, vector<16xf32>
      %add3A_272 = arith.addf %broadcast_in_dim3A_259, %select_n3A_271 : vector<16xf32>
      %add3A_273 = arith.constant 176 : i32
      %add3A_274 = vector.broadcast %add3A_273 : i32 to vector<16xi32>
      %add3A_275 = arith.addi %add3A_274, %iota3A : vector<16xi32>
      %get3A_276 = arith.constant 176 : index
      %get3A_277 = tpu.vector_load %arg9[%get3A_276] {strides = array<i32>} : memref<256xi32, #tpu.memory_space<vmem>>, vector<16xi32>,
      %and3A_278 = arith.constant 127 : i32
      %and3A_279 = vector.broadcast %and3A_278 : i32 to vector<16xi32>
      %and3A_280 = arith.andi %get3A_277, %and3A_279 : vector<16xi32>
      %gather3A_281 = tpu.vector_load_idx %arg10[%add3A_275, %and3A_280] : memref<256x128xf32, #tpu.memory_space<vmem>>[vector<16xi32>, vector<16xi32>], vector<16xf32>,
      %lt3A_282 = vector.broadcast %scan3A_152 : i32 to vector<16xi32>
      %lt3A_283 = arith.cmpi slt, %add3A_275, %lt3A_282 : vector<16xi32>
      %jit3A_284 = arith.constant 0.000000e+00 : f32
      %broadcast_in_dim3A_285 = vector.broadcast %jit3A_284 : f32 to vector<16xf32>
      %select_n3A_286 = arith.select %lt3A_283, %gather3A_281, %broadcast_in_dim3A_285 : vector<16xi1>, vector<16xf32>
      %add3A_287 = arith.addf %add3A_272, %select_n3A_286 : vector<16xf32>
      %get3A_288 = arith.constant 0 : index
      %get3A_289 = tpu.vector_load %arg11[%get3A_288] {strides = array<i32>} : memref<128xf32, #tpu.memory_space<vmem>>, vector<16xf32>,
      %sub3A_290 = arith.subf %get3A_289, %add3A_287 : vector<16xf32>
      %swap3A_291 = arith.constant 0 : index
      %swap3A_292 = tpu.vector_load %arg11[%swap3A_291] {strides = array<i32>} : memref<128xf32, #tpu.memory_space<vmem>>, vector<16xf32>,
      tpu.vector_store %arg11[%swap3A_291], %sub3A_290 {strides = array<i32>} : memref<128xf32, #tpu.memory_space<vmem>>, vector<16xf32>,
    } else {
    }
    %gt3A_224 = arith.constant 192 : i32
    %gt3A_225 = arith.cmpi sgt, %scan3A_152, %gt3A_224 : i32
    %convert_element_type3A_226 = arith.extui %gt3A_225 : i1 to i32
    %cond3A_227 = arith.constant 0 : i32
    %cond3A_228 = arith.cmpi ne, %convert_element_type3A_226, %cond3A_227 : i32
    scf.if %cond3A_228 {
      %dma_wait3A_249 = arith.constant 192 : i32
      %dma_wait3A_250 = arith.constant 0 : i32
      %dma_wait3A_251 = tpu.memref_slice %arg10[%dma_wait3A_249, %dma_wait3A_250] : memref<256x128xf32, #tpu.memory_space<vmem>> -> memref<32x128xf32, #tpu.memory_space<vmem>>
      %dma_wait3A_252 = arith.constant 192 : i32
      %dma_wait3A_253 = tpu.memref_slice %arg8[%dma_wait3A_252] : memref<256xi32, #tpu.memory_space<vmem>> -> memref<32xi32, #tpu.memory_space<vmem>>
      %dma_wait3A_254 = tpu.memref_reshape %arg2 : memref<2x256x250x8x128xf32, #tpu.memory_space<hbm>> -> memref<1024000x128xf32, #tpu.memory_space<hbm>>
      %dma_wait3A_255 = arith.constant 0 : i32
      %dma_wait3A_256 = arith.constant 0 : i32
      %dma_wait3A_257 = tpu.memref_slice %dma_wait3A_254[%dma_wait3A_255, %dma_wait3A_256] : memref<1024000x128xf32, #tpu.memory_space<hbm>> -> memref<1024000x128xf32, #tpu.memory_space<hbm>>
      tpu.wait_indirect_dma semaphore(%arg23 : memref<!tpu.dma_semaphore, #tpu.memory_space<semaphore_mem>>) src(%dma_wait3A_257 : memref<1024000x128xf32, #tpu.memory_space<hbm>>) dst(%dma_wait3A_251 : memref<32x128xf32, #tpu.memory_space<vmem>>)
      %broadcast_in_dim3A_258 = arith.constant 0.000000e+00 : f32
      %broadcast_in_dim3A_259 = vector.broadcast %broadcast_in_dim3A_258 : f32 to vector<16xf32>
      %add3A_260 = arith.constant 192 : i32
      %add3A_261 = vector.broadcast %add3A_260 : i32 to vector<16xi32>
      %add3A_262 = arith.addi %add3A_261, %iota3A : vector<16xi32>
      %get3A = arith.constant 192 : index
      %get3A_263 = tpu.vector_load %arg9[%get3A] {strides = array<i32>} : memref<256xi32, #tpu.memory_space<vmem>>, vector<16xi32>,
      %and3A_264 = arith.constant 127 : i32
      %and3A_265 = vector.broadcast %and3A_264 : i32 to vector<16xi32>
      %and3A_266 = arith.andi %get3A_263, %and3A_265 : vector<16xi32>
      %gather3A = tpu.vector_load_idx %arg10[%add3A_262, %and3A_266] : memref<256x128xf32, #tpu.memory_space<vmem>>[vector<16xi32>, vector<16xi32>], vector<16xf32>,
      %lt3A_267 = vector.broadcast %scan3A_152 : i32 to vector<16xi32>
      %lt3A_268 = arith.cmpi slt, %add3A_262, %lt3A_267 : vector<16xi32>
      %jit3A_269 = arith.constant 0.000000e+00 : f32
      %broadcast_in_dim3A_270 = vector.broadcast %jit3A_269 : f32 to vector<16xf32>
      %select_n3A_271 = arith.select %lt3A_268, %gather3A, %broadcast_in_dim3A_270 : vector<16xi1>, vector<16xf32>
      %add3A_272 = arith.addf %broadcast_in_dim3A_259, %select_n3A_271 : vector<16xf32>
      %add3A_273 = arith.constant 208 : i32
      %add3A_274 = vector.broadcast %add3A_273 : i32 to vector<16xi32>
      %add3A_275 = arith.addi %add3A_274, %iota3A : vector<16xi32>
      %get3A_276 = arith.constant 208 : index
      %get3A_277 = tpu.vector_load %arg9[%get3A_276] {strides = array<i32>} : memref<256xi32, #tpu.memory_space<vmem>>, vector<16xi32>,
      %and3A_278 = arith.constant 127 : i32
      %and3A_279 = vector.broadcast %and3A_278 : i32 to vector<16xi32>
      %and3A_280 = arith.andi %get3A_277, %and3A_279 : vector<16xi32>
      %gather3A_281 = tpu.vector_load_idx %arg10[%add3A_275, %and3A_280] : memref<256x128xf32, #tpu.memory_space<vmem>>[vector<16xi32>, vector<16xi32>], vector<16xf32>,
      %lt3A_282 = vector.broadcast %scan3A_152 : i32 to vector<16xi32>
      %lt3A_283 = arith.cmpi slt, %add3A_275, %lt3A_282 : vector<16xi32>
      %jit3A_284 = arith.constant 0.000000e+00 : f32
      %broadcast_in_dim3A_285 = vector.broadcast %jit3A_284 : f32 to vector<16xf32>
      %select_n3A_286 = arith.select %lt3A_283, %gather3A_281, %broadcast_in_dim3A_285 : vector<16xi1>, vector<16xf32>
      %add3A_287 = arith.addf %add3A_272, %select_n3A_286 : vector<16xf32>
      %get3A_288 = arith.constant 0 : index
      %get3A_289 = tpu.vector_load %arg11[%get3A_288] {strides = array<i32>} : memref<128xf32, #tpu.memory_space<vmem>>, vector<16xf32>,
      %sub3A_290 = arith.subf %get3A_289, %add3A_287 : vector<16xf32>
      %swap3A_291 = arith.constant 0 : index
      %swap3A_292 = tpu.vector_load %arg11[%swap3A_291] {strides = array<i32>} : memref<128xf32, #tpu.memory_space<vmem>>, vector<16xf32>,
      tpu.vector_store %arg11[%swap3A_291], %sub3A_290 {strides = array<i32>} : memref<128xf32, #tpu.memory_space<vmem>>, vector<16xf32>,
    } else {
    }
    %gt3A_229 = arith.constant 224 : i32
    %gt3A_230 = arith.cmpi sgt, %scan3A_152, %gt3A_229 : i32
    %convert_element_type3A_231 = arith.extui %gt3A_230 : i1 to i32
    %cond3A_232 = arith.constant 0 : i32
    %cond3A_233 = arith.cmpi ne, %convert_element_type3A_231, %cond3A_232 : i32
    scf.if %cond3A_233 {
      %dma_wait3A_249 = arith.constant 224 : i32
      %dma_wait3A_250 = arith.constant 0 : i32
      %dma_wait3A_251 = tpu.memref_slice %arg10[%dma_wait3A_249, %dma_wait3A_250] : memref<256x128xf32, #tpu.memory_space<vmem>> -> memref<32x128xf32, #tpu.memory_space<vmem>>
      %dma_wait3A_252 = arith.constant 224 : i32
      %dma_wait3A_253 = tpu.memref_slice %arg8[%dma_wait3A_252] : memref<256xi32, #tpu.memory_space<vmem>> -> memref<32xi32, #tpu.memory_space<vmem>>
      %dma_wait3A_254 = tpu.memref_reshape %arg2 : memref<2x256x250x8x128xf32, #tpu.memory_space<hbm>> -> memref<1024000x128xf32, #tpu.memory_space<hbm>>
      %dma_wait3A_255 = arith.constant 0 : i32
      %dma_wait3A_256 = arith.constant 0 : i32
      %dma_wait3A_257 = tpu.memref_slice %dma_wait3A_254[%dma_wait3A_255, %dma_wait3A_256] : memref<1024000x128xf32, #tpu.memory_space<hbm>> -> memref<1024000x128xf32, #tpu.memory_space<hbm>>
      tpu.wait_indirect_dma semaphore(%arg24 : memref<!tpu.dma_semaphore, #tpu.memory_space<semaphore_mem>>) src(%dma_wait3A_257 : memref<1024000x128xf32, #tpu.memory_space<hbm>>) dst(%dma_wait3A_251 : memref<32x128xf32, #tpu.memory_space<vmem>>)
      %broadcast_in_dim3A_258 = arith.constant 0.000000e+00 : f32
      %broadcast_in_dim3A_259 = vector.broadcast %broadcast_in_dim3A_258 : f32 to vector<16xf32>
      %add3A_260 = arith.constant 224 : i32
      %add3A_261 = vector.broadcast %add3A_260 : i32 to vector<16xi32>
      %add3A_262 = arith.addi %add3A_261, %iota3A : vector<16xi32>
      %get3A = arith.constant 224 : index
      %get3A_263 = tpu.vector_load %arg9[%get3A] {strides = array<i32>} : memref<256xi32, #tpu.memory_space<vmem>>, vector<16xi32>,
      %and3A_264 = arith.constant 127 : i32
      %and3A_265 = vector.broadcast %and3A_264 : i32 to vector<16xi32>
      %and3A_266 = arith.andi %get3A_263, %and3A_265 : vector<16xi32>
      %gather3A = tpu.vector_load_idx %arg10[%add3A_262, %and3A_266] : memref<256x128xf32, #tpu.memory_space<vmem>>[vector<16xi32>, vector<16xi32>], vector<16xf32>,
      %lt3A_267 = vector.broadcast %scan3A_152 : i32 to vector<16xi32>
      %lt3A_268 = arith.cmpi slt, %add3A_262, %lt3A_267 : vector<16xi32>
      %jit3A_269 = arith.constant 0.000000e+00 : f32
      %broadcast_in_dim3A_270 = vector.broadcast %jit3A_269 : f32 to vector<16xf32>
      %select_n3A_271 = arith.select %lt3A_268, %gather3A, %broadcast_in_dim3A_270 : vector<16xi1>, vector<16xf32>
      %add3A_272 = arith.addf %broadcast_in_dim3A_259, %select_n3A_271 : vector<16xf32>
      %add3A_273 = arith.constant 240 : i32
      %add3A_274 = vector.broadcast %add3A_273 : i32 to vector<16xi32>
      %add3A_275 = arith.addi %add3A_274, %iota3A : vector<16xi32>
      %get3A_276 = arith.constant 240 : index
      %get3A_277 = tpu.vector_load %arg9[%get3A_276] {strides = array<i32>} : memref<256xi32, #tpu.memory_space<vmem>>, vector<16xi32>,
      %and3A_278 = arith.constant 127 : i32
      %and3A_279 = vector.broadcast %and3A_278 : i32 to vector<16xi32>
      %and3A_280 = arith.andi %get3A_277, %and3A_279 : vector<16xi32>
      %gather3A_281 = tpu.vector_load_idx %arg10[%add3A_275, %and3A_280] : memref<256x128xf32, #tpu.memory_space<vmem>>[vector<16xi32>, vector<16xi32>], vector<16xf32>,
      %lt3A_282 = vector.broadcast %scan3A_152 : i32 to vector<16xi32>
      %lt3A_283 = arith.cmpi slt, %add3A_275, %lt3A_282 : vector<16xi32>
      %jit3A_284 = arith.constant 0.000000e+00 : f32
      %broadcast_in_dim3A_285 = vector.broadcast %jit3A_284 : f32 to vector<16xf32>
      %select_n3A_286 = arith.select %lt3A_283, %gather3A_281, %broadcast_in_dim3A_285 : vector<16xi1>, vector<16xf32>
      %add3A_287 = arith.addf %add3A_272, %select_n3A_286 : vector<16xf32>
      %get3A_288 = arith.constant 0 : index
      %get3A_289 = tpu.vector_load %arg11[%get3A_288] {strides = array<i32>} : memref<128xf32, #tpu.memory_space<vmem>>, vector<16xf32>,
      %sub3A_290 = arith.subf %get3A_289, %add3A_287 : vector<16xf32>
      %swap3A_291 = arith.constant 0 : index
      %swap3A_292 = tpu.vector_load %arg11[%swap3A_291] {strides = array<i32>} : memref<128xf32, #tpu.memory_space<vmem>>, vector<16xf32>,
      tpu.vector_store %arg11[%swap3A_291], %sub3A_290 {strides = array<i32>} : memref<128xf32, #tpu.memory_space<vmem>>, vector<16xf32>,
    } else {
    }
    %convert_element_type3A_234 = arith.sitofp %scan3A_152 : i32 to f32
    %broadcast_in_dim3A_235 = vector.broadcast %convert_element_type3A_234 : f32 to vector<16xf32>
    %eq3A_236 = arith.constant 0 : i32
    %eq3A_237 = vector.broadcast %eq3A_236 : i32 to vector<16xi32>
    %eq3A_238 = arith.cmpi eq, %iota3A, %eq3A_237 : vector<16xi32>
    %jit3A_239 = arith.constant 0.000000e+00 : f32
    %broadcast_in_dim3A_240 = vector.broadcast %jit3A_239 : f32 to vector<16xf32>
    %select_n3A_241 = arith.select %eq3A_238, %broadcast_in_dim3A_235, %broadcast_in_dim3A_240 : vector<16xi1>, vector<16xf32>
    %swap3A_242 = arith.constant 16 : index
    %swap3A_243 = tpu.vector_load %arg11[%swap3A_242] {strides = array<i32>} : memref<128xf32, #tpu.memory_space<vmem>>, vector<16xf32>,
    tpu.vector_store %arg11[%swap3A_242], %select_n3A_241 {strides = array<i32>} : memref<128xf32, #tpu.memory_space<vmem>>, vector<16xf32>,
    "tpu.region"() ({
      %run_scoped3A = tpu.sem_alloc : memref<!tpu.dma_semaphore, #tpu.memory_space<semaphore_mem>>
      %dma_start3A_249 = arith.constant 0 : i32
      %dma_start3A_250 = tpu.memref_slice %arg14[%arg1, %dma_start3A_249] : memref<16x128xf32, #tpu.memory_space<vmem_shared>> -> memref<1x128xf32, #tpu.memory_space<vmem_shared>>
      %dma_start3A_251 = tpu.memref_squeeze %dma_start3A_250 : memref<1x128xf32, #tpu.memory_space<vmem_shared>> -> memref<128xf32, #tpu.memory_space<vmem_shared>>
      %dma_start3A_252 = arith.constant 0 : i32
      %dma_start3A_253 = tpu.memref_slice %arg14[%arg1, %dma_start3A_252] : memref<16x128xf32, #tpu.memory_space<vmem_shared>> -> memref<1x128xf32, #tpu.memory_space<vmem_shared>>
      %dma_start3A_254 = tpu.memref_squeeze %dma_start3A_253 : memref<1x128xf32, #tpu.memory_space<vmem_shared>> -> memref<128xf32, #tpu.memory_space<vmem_shared>>
      tpu.enqueue_dma source(%arg11 : memref<128xf32, #tpu.memory_space<vmem>>) target(%dma_start3A_254 : memref<128xf32, #tpu.memory_space<vmem_shared>>) target_semaphore(%run_scoped3A : memref<!tpu.dma_semaphore, #tpu.memory_space<semaphore_mem>>)
      %dma_wait3A_255 = arith.constant 0 : i32
      %dma_wait3A_256 = tpu.memref_slice %arg14[%arg1, %dma_wait3A_255] : memref<16x128xf32, #tpu.memory_space<vmem_shared>> -> memref<1x128xf32, #tpu.memory_space<vmem_shared>>
      %dma_wait3A_257 = tpu.memref_squeeze %dma_wait3A_256 : memref<1x128xf32, #tpu.memory_space<vmem_shared>> -> memref<128xf32, #tpu.memory_space<vmem_shared>>
      %dma_wait3A_258 = arith.constant 0 : i32
      %dma_wait3A_259 = tpu.memref_slice %arg14[%arg1, %dma_wait3A_258] : memref<16x128xf32, #tpu.memory_space<vmem_shared>> -> memref<1x128xf32, #tpu.memory_space<vmem_shared>>
      %dma_wait3A_260 = tpu.memref_squeeze %dma_wait3A_259 : memref<1x128xf32, #tpu.memory_space<vmem_shared>> -> memref<128xf32, #tpu.memory_space<vmem_shared>>
      tpu.wait_dma2 semaphore(%run_scoped3A : memref<!tpu.dma_semaphore, #tpu.memory_space<semaphore_mem>>) src(%arg11 : memref<128xf32, #tpu.memory_space<vmem>>) dst(%dma_wait3A_260 : memref<128xf32, #tpu.memory_space<vmem_shared>>)
      tpu.yield
    }) : () -> ()
    %barrier3A = arith.constant 0 : index
    tpu.barrier barrier_id(%barrier3A)
    %eq3A_244 = arith.constant 0 : i32
    %eq3A_245 = arith.cmpi eq, %arg1, %eq3A_244 : i32
    %convert_element_type3A_246 = arith.extui %eq3A_245 : i1 to i32
    %cond3A_247 = arith.constant 0 : i32
    %cond3A_248 = arith.cmpi ne, %convert_element_type3A_246, %cond3A_247 : i32
    scf.if %cond3A_248 {
      "tpu.region"() ({
        %run_scoped3A = tpu.sem_alloc : memref<!tpu.dma_semaphore, #tpu.memory_space<semaphore_mem>>
        tpu.enqueue_dma source(%arg14 : memref<16x128xf32, #tpu.memory_space<vmem_shared>>) target(%arg12 : memref<16x128xf32, #tpu.memory_space<vmem>>) target_semaphore(%run_scoped3A : memref<!tpu.dma_semaphore, #tpu.memory_space<semaphore_mem>>)
        tpu.wait_dma2 semaphore(%run_scoped3A : memref<!tpu.dma_semaphore, #tpu.memory_space<semaphore_mem>>) src(%arg14 : memref<16x128xf32, #tpu.memory_space<vmem_shared>>) dst(%arg12 : memref<16x128xf32, #tpu.memory_space<vmem>>)
        tpu.yield
      }) : () -> ()
      %broadcast_in_dim3A_249 = arith.constant 0.000000e+00 : f32
      %broadcast_in_dim3A_250 = vector.broadcast %broadcast_in_dim3A_249 : f32 to vector<16xf32>
      %broadcast_in_dim3A_251 = arith.constant 0.000000e+00 : f32
      %broadcast_in_dim3A_252 = vector.broadcast %broadcast_in_dim3A_251 : f32 to vector<16xf32>
      %scan3A_253 = arith.constant 0 : i32
      %scan3A_254 = arith.constant 16 : i32
      %scan3A_255 = arith.addi %scan3A_253, %scan3A_254 : i32
      %scan3A_256 = arith.constant 1 : i32
      %scan3A_257:2 = scf.for %scan3A_271 = %scan3A_253 to %scan3A_255 step %scan3A_256 iter_args(%scan3A_272 = %broadcast_in_dim3A_250, %scan3A_273 = %broadcast_in_dim3A_252) -> (vector<16xf32>, vector<16xf32>)  : i32 {
        %get3A = arith.index_cast %scan3A_271 : i32 to index
        %get3A_274 = arith.constant 0 : index
        %get3A_275 = tpu.vector_load %arg12[%get3A, %get3A_274] {strides = array<i32>} : memref<16x128xf32, #tpu.memory_space<vmem>>, vector<16xf32>,
        %add3A_276 = arith.addf %scan3A_272, %get3A_275 : vector<16xf32>
        %get3A_277 = arith.index_cast %scan3A_271 : i32 to index
        %get3A_278 = arith.constant 16 : index
        %get3A_279 = tpu.vector_load %arg12[%get3A_277, %get3A_278] {strides = array<i32>} : memref<16x128xf32, #tpu.memory_space<vmem>>, vector<16xf32>,
        %add3A_280 = arith.addf %scan3A_273, %get3A_279 : vector<16xf32>
        scf.yield %add3A_276, %add3A_280 : vector<16xf32>, vector<16xf32>
      }
      %scan3A_258 = arith.constant 16 : i32
      %reduce_sum3A = arith.constant true
      %reduce_sum3A_259 = vector.broadcast %reduce_sum3A : i1 to vector<16xi1>
      %reduce_sum3A_260 = tpu.scan <sum>, %scan3A_257#0 masked %reduce_sum3A_259 : vector<16xf32>, vector<16xi1> -> vector<16xf32>
      %reduce_sum3A_261 = vector.extract %reduce_sum3A_260[15] : f32 from vector<16xf32>
      %broadcast_in_dim3A_262 = vector.broadcast %reduce_sum3A_261 : f32 to vector<16xf32>
      %reduce_sum3A_263 = arith.constant true
      %reduce_sum3A_264 = vector.broadcast %reduce_sum3A_263 : i1 to vector<16xi1>
      %reduce_sum3A_265 = tpu.scan <sum>, %scan3A_257#1 masked %reduce_sum3A_264 : vector<16xf32>, vector<16xi1> -> vector<16xf32>
      %reduce_sum3A_266 = vector.extract %reduce_sum3A_265[15] : f32 from vector<16xf32>
      %broadcast_in_dim3A_267 = vector.broadcast %reduce_sum3A_266 : f32 to vector<16xf32>
      %div3A_268 = arith.divf %broadcast_in_dim3A_262, %broadcast_in_dim3A_267 : vector<16xf32>
      %swap3A_269 = arith.constant 0 : index
      %swap3A_270 = tpu.vector_load %arg13[%swap3A_269] {strides = array<i32>} : memref<16xf32, #tpu.memory_space<vmem>>, vector<16xf32>,
      tpu.vector_store %arg13[%swap3A_269], %div3A_268 {strides = array<i32>} : memref<16xf32, #tpu.memory_space<vmem>>, vector<16xf32>,
      "tpu.region"() ({
        %run_scoped3A = tpu.sem_alloc : memref<!tpu.dma_semaphore, #tpu.memory_space<semaphore_mem>>
        tpu.enqueue_dma source(%arg13 : memref<16xf32, #tpu.memory_space<vmem>>) target(%arg5 : memref<16xf32, #tpu.memory_space<hbm>>) target_semaphore(%run_scoped3A : memref<!tpu.dma_semaphore, #tpu.memory_space<semaphore_mem>>)
        tpu.wait_dma2 semaphore(%run_scoped3A : memref<!tpu.dma_semaphore, #tpu.memory_space<semaphore_mem>>) src(%arg13 : memref<16xf32, #tpu.memory_space<vmem>>) dst(%arg5 : memref<16xf32, #tpu.memory_space<hbm>>)
        tpu.yield
      }) : () -> ()
    } else {
    }
    return
  }
}

</mosaic_0001>

<sc_bundles>
// kernel: kernel.3.cloned.1.call-start
scs
__scs_entry_jumppad:
0x0: {  	(pc) =	sbr.rel $0x88, $3  }
0x1: {  	(tag) =	ssettag $0x0;
	lr =	simm.s32 $0x1  }
0x2: {  	[smem:$0x3F9E] =	sst lr;
	_ =	strace $0xD0000000  }
0x3: {  	_ = 	snop  }
0x4: {  	_ = 	snop  }
0x5: {  	_ = 	snop  }
0x6: {  	_ = 	snop  }
0x7: {  	_ = 	snop  }
__scs_overlays_trampoline_lowered:
0x8: {  	[smem:$0x3FAD] =	sst s0  }
0x9: {  	[smem:$0x3FAE] =	sst s1  }
0xa: {  	[smem:$0x3FAF] =	sst s2  }
0xb: {  	[smem:$0x3FB0] =	sst s3  }
0xc: {  	[smem:$0x3FB1] =	sst s4  }
0xd: {  	[smem:$0x3FB2] =	sst s5  }
0xe: {  	[smem:$0x3FB3] =	sst s6  }
0xf: {  	[smem:$0x3FB4] =	sst s7  }
0x10: {  	[smem:$0x3FB5] =	sst s8  }
0x11: {  	[smem:$0x3FB6] =	sst s9;
	s0 =	simm.s32 @!p0 $0x0  }
0x12: {  	s1 =	sld [smem:$0x3F9C];
	s0 =	simm.s32 @p0 $0x1  }
0x13: {  	[smem:$0x3FB7] =	sst s0;
	s0 =	simm.s32 @!p1 $0x0  }
0x14: {  	s2 =	sld [smem:$0x3F9B];
	s0 =	simm.s32 @p1 $0x1  }
0x15: {  	[smem:$0x3FB8] =	sst s0;
	s0 =	simm.s32 @!p2 $0x0  }
0x16: {  	s3 =	sld [smem:$0x3FDB];
	s0 =	simm.s32 @p2 $0x1  }
0x17: {  	s4 =	simm.s32 $0x1BF5;
	[smem:$0x3FBA] =	sst s0  }
0x18: {  	s0 =	sld [smem:$0x3F9D];
	_ =	swait.ge [sflag:s4], $0x0  }
0x19: {  	s7 =	sld [smem:$0x3F9E]  }
0x1a: {  	s8 =	sadd.s32 $0xFFFFE003, lr  }
0x1b: {  	s9 =	sadd.s32 $0xFFFFFEF7, lr;
	s5 =	simm.s32 $0xFFFFFFFF;
	p2 =	slt.u32 s8, $0xFFFFF086  }
0x1c: {  	p1 =	slt.u32 s9, $0xF7A;
	s5 =	simm.s32 @!p2 $0x0  }
0x1d: {  	s5 =	simm.s32 @p1 $0x1;
	p0 =	seq.s32 s7, s2  }
0x1e: {  	s7 =	smul.u32 @!p0 $0xF7A, s2;
	p2 =	seq.s32 @!p0 s5, $0x0  }
0x1f: {  	s9 =	smul.u32 $0xF7A, s1;
	s8 =	simm.s32 @!p0 $0x1BF5;
	p2 =	por !p2, p0  }
0x20: {  	[sflag:s8] =	ssyncset.s32 @!p0 $0xFFFFF086;
	s6 =	sadd.s32 @!p0 s3, s7;
	s7 =	simm.s32 @!p0 $0x108  }
0x21: {  	s3 =	sadd.s32 s3, s9;
	s6 =	sadd.s32 @!p0 $0x88, s6;
	s7 =	simm.s32 @p2 $0x1082  }
0x22: {  	[simem:s7], [sflag:s8] =	dma.local @!p0 [hbm:s6], $0xF7A  }
0x23: {  	s9 =	sor.u32 $0xD0000000, s2;
	s6 =	simm.s32 $0x108;
	_ =	swait.ge @!p0 [sflag:s8], $0x0  }
0x24: {  	s3 =	sadd.s32 $0x88, s3;
	s6 =	simm.s32 @!p1 $0x1082;
	[sflag:s4] =	ssyncset.s32 $0xFFFFF086  }
0x25: {  	[simem:s6], [sflag:s4] =	dma.local [hbm:s3], $0xF7A  }
0x26: {  	[smem:$0x3F9E] =	sst s1;
	(tag) =	ssettag s2;
	_ =	strace s9  }
0x27: {  	s1 =	sld [smem:$0x3FAE]  }
0x28: {  	s2 =	sld [smem:$0x3FAF]  }
0x29: {  	s4 =	sld [smem:$0x3FB1]  }
0x2a: {  	p0 =	seq.s32 s5, $0x0;
	s5 =	sld [smem:$0x3FB2]  }
0x2b: {  	s6 =	sld [smem:$0x3FB3]  }
0x2c: {  	s7 =	sld [smem:$0x3FB4]  }
0x2d: {  	s3 =	simm.s32 $0x108;
	s8 =	sld [smem:$0x3FB5]  }
0x2e: {  	s3 =	simm.s32 @!p0 $0x1082;
	s9 =	sld [smem:$0x3FB6]  }
0x2f: {  	lr =	sadd.s32 s0, s3;
	s0 =	sld [smem:$0x3FAD]  }
0x30: {  	s3 =	sld [smem:$0x3FB0]  }
0x31: {  	[smem:$0x3FB9] =	sst s10  }
0x32: {  	s10 =	sld [smem:$0x3FB7];
	_ =	sdelay $0x3  }
0x33: {  	p0 =	seq.s32 s10, $0x1;
	s10 =	sld [smem:$0x3FB9];
	_ =	sdelay $0x3  }
0x34: {  	[smem:$0x3FB9] =	sst s10  }
0x35: {  	s10 =	sld [smem:$0x3FB8];
	_ =	sdelay $0x3  }
0x36: {  	p1 =	seq.s32 s10, $0x1;
	s10 =	sld [smem:$0x3FB9];
	_ =	sdelay $0x3  }
0x37: {  	[smem:$0x3FB9] =	sst s10  }
0x38: {  	s10 =	sld [smem:$0x3FBA]  }
0x39: {  	_ = 	snop;
	(pc) =	sbr.ind lr, $3  }
0x3a: {  	_ = 	snop  }
0x3b: {  	_ = 	snop  }
0x3c: {  	p2 =	seq.s32 s10, $0x1;
	s10 =	sld [smem:$0x3FB9]  }
0x3d: {  	_ =	shalt  }
0x3e: {  	_ =	shalt  }
0x3f: {  	_ =	shalt  }
0x40: {  	_ =	shalt  }
0x41: {  	_ =	shalt  }
0x42: {  	_ =	shalt  }
0x43: {  	_ =	shalt  }
0x44: {  	_ =	shalt  }
0x45: {  	_ =	shalt  }
0x46: {  	_ =	shalt  }
0x47: {  	_ =	shalt  }
0x48: {  	_ =	shalt  }
0x49: {  	_ =	shalt  }
0x4a: {  	_ =	shalt  }
0x4b: {  	_ =	shalt  }
0x4c: {  	_ =	shalt  }
0x4d: {  	_ =	shalt  }
0x4e: {  	_ =	shalt  }
0x4f: {  	_ =	shalt  }
0x50: {  	_ =	shalt  }
0x51: {  	_ =	shalt  }
0x52: {  	_ =	shalt  }
0x53: {  	_ =	shalt  }
0x54: {  	_ =	shalt  }
0x55: {  	_ =	shalt  }
0x56: {  	_ =	shalt  }
0x57: {  	_ =	shalt  }
0x58: {  	_ =	shalt  }
0x59: {  	_ =	shalt  }
0x5a: {  	_ =	shalt  }
0x5b: {  	_ =	shalt  }
0x5c: {  	_ =	shalt  }
0x5d: {  	_ =	shalt  }
0x5e: {  	_ =	shalt  }
0x5f: {  	_ =	shalt  }
0x60: {  	_ =	shalt  }
0x61: {  	_ =	shalt  }
0x62: {  	_ =	shalt  }
0x63: {  	_ =	shalt  }
0x64: {  	_ =	shalt  }
0x65: {  	_ =	shalt  }
0x66: {  	_ =	shalt  }
0x67: {  	_ =	shalt  }
0x68: {  	_ =	shalt  }
0x69: {  	_ =	shalt  }
0x6a: {  	_ =	shalt  }
0x6b: {  	_ =	shalt  }
0x6c: {  	_ =	shalt  }
0x6d: {  	_ =	shalt  }
0x6e: {  	_ =	shalt  }
0x6f: {  	_ =	shalt  }
0x70: {  	_ =	shalt  }
0x71: {  	_ =	shalt  }
0x72: {  	_ =	shalt  }
0x73: {  	_ =	shalt  }
0x74: {  	_ =	shalt  }
0x75: {  	_ =	shalt  }
0x76: {  	_ =	shalt  }
0x77: {  	_ =	shalt  }
0x78: {  	_ =	shalt  }
0x79: {  	_ =	shalt  }
0x7a: {  	_ =	shalt  }
0x7b: {  	_ =	shalt  }
0x7c: {  	_ =	shalt  }
0x7d: {  	_ =	shalt  }
0x7e: {  	_ =	shalt  }
0x7f: {  	_ =	shalt  }
0x80: {  	_ =	shalt  }
0x81: {  	_ =	shalt  }
0x82: {  	_ =	shalt  }
0x83: {  	_ =	shalt  }
0x84: {  	_ =	shalt  }
0x85: {  	_ =	shalt  }
0x86: {  	_ =	shalt  }
0x87: {  	_ =	shalt  }
.Lfunc_end0:
.L_simem_size_0:
called_computation_lowered:
.L_overlay_start_0:
0x88: {  	s0 =	sld [smem:$0x3FD9]  }
0x89: {  	s1 =	sld [smem:$0x3FFE];
	_ =	sdelay $0x3  }
0x8a: {  	s0 =	sadd.s32 s1, s0  }
0x8b: {  	[smem:$0x3FC5] =	sst s0  }
0x8c: {  	_ = 	snop  }
0x8d: {  	s0 =	sld [smem:$0x3FC9]  }
0x8e: {  	s17 =	sld [smem:$0x3FC8]  }
0x8f: {  	s2 =	sld [smem:$0x3FC7]  }
0x90: {  	s3 =	sld [smem:$0x3FD0];
	(tm) =	ssettm $0x1  }
0x91: {  	s4 =	sld [smem:$0x3FFB];
	_ =	sdelay $0x3  }
0x92: {  	_ =	strace s4  }
0x93: {  	s4 =	sld [smem:$0x3FFC];
	_ =	sdelay $0x3  }
0x94: {  	_ =	strace s4  }
0x95: {  	s4 =	sld [smem:$0x3FFD];
	_ =	sdelay $0x3  }
0x96: {  	_ =	strace s4  }
0x97: {  	_ =	strace $0x8FFFFFFF  }
0x98: {  	s18 =	sld [smem:$0x3FDB];
	_ =	sdelay $0x1  }
0x99: {  	s5 =	simm.s32 $_scs_section_size  }
0x9a: {  	s6 =	simm.s32 $_size__tile_overlayer_lowered;
	s7 =	simm.s32 $_tile_overlayer_lowered  }
0x9b: {  	s21 =	simm.s32 $0x1BFF;
	s20 =	sshll.u32 s7, $0x1;
	s4 =	sadd.s32 s5, s18  }
0x9c: {  	s8 =	simm.s32 $0x0;
	s19 =	sshll.u32 s6, $0x1;
	s6 =	sadd.s32 s20, s4  }
0x9d: {  	[timem:s8], [sflag:s21] =	dma.local [hbm:s6], s19  }
0x9e: {  	_ =	swait.ge [sflag:s21], s19  }
0x9f: {  	s5 =	ssub.s32 $0x0, s19;
	[sflag:s21] =	ssyncset.done $0x0  }
0xa0: {  	[sflag:s21] =	ssyncadd.s32 s5;
	_ =	sdelay $0x1  }
0xa1: {  	s22 =	simm.s32 $0x1B8B  }
0xa2: {  	_ =	swait.ge [sflag:s22], $0x1  }
0xa3: {  	[sflag:s22] =	ssyncset.done $0x0  }
0xa4: {  	s23 =	simm.s32 $0x1B8E;
	[sflag:s22] =	ssyncadd.s32 $0xFFFFFFFF  }
0xa5: {  	s24 =	simm.s32 $execute0_lowered;
	[smem:$0x3FD2] =	sst s23  }
0xa6: {  	s5 =	sshll.u32 s24, $0x1;
	_ =	strace $0x80000046;
	[dreg:$0x1] =	wrdreg $0xFFFFFFFF  }
0xa7: {  	s25 =	simm.s32 $_size_execute0_lowered;
	s4 =	sadd.s32 s4, s5;
	[dreg:$0x0] =	wrdreg $0x0  }
0xa8: {  	s5 =	sshll.u32 s25, $0x1;
	[dreg:$0x2] =	wrdreg s4  }
0xa9: {  	[dreg:$0x3] =	wrdreg s5  }
0xaa: {  	[dreg:$0x4] =	wrdreg $0xC0  }
0xab: {  	_ =	task [dreg:s8], $0x5FFFF  }
0xac: {  	[dreg:$0x1] =	wrdreg $0xFFFFFFFF  }
0xad: {  	[dreg:$0x0] =	wrdreg $0x60  }
0xae: {  	[dreg:$0x2] =	wrdreg s0  }
0xaf: {  	[dreg:$0x3] =	wrdreg s17  }
0xb0: {  	[dreg:$0x4] =	wrdreg s2  }
0xb1: {  	[dreg:$0x5] =	wrdreg s3  }
0xb2: {  	[dreg:$0x6] =	wrdreg $0x8D000  }
0xb3: {  	[dreg:$0x7] =	wrdreg $0x9  }
0xb4: {  	_ =	task.clear_ibuf [dreg:s8], $0x8FFFF;
	_ =	strace $0x90000046  }
0xb5: {  	s26 =	simm.s32 $0x9;
	_ =	strace $0x80000048  }
0xb6: {  	_ =	swait.ge [sflag:s26], $0x1  }
0xb7: {  	[sflag:s26] =	ssyncadd.s32 $0xFFFFFFFF  }
0xb8: {  	_ =	strace $0x90000048  }
0xb9: {  	_ =	sfence  }
0xba: {  	s28 =	sld [smem:$0x0];
	_ =	sdelay $0x1  }
0xbb: {  	s29 =	srdreg.scid  }
0xbc: {  	s30 =	sshll.u32 s29, $0xD;
	s31 =	sshrl.u32 s29, $0x2  }
0xbd: {  	s1 =	sand.u32 $0x1, s29;
	s2 =	sand.u32 $0x4000, s30;
	s0 =	sadd.s32 s31, s28  }
0xbe: {  	s1 =	sor.u32 s2, s1;
	s0 =	sshll.u32 s0, $0x11  }
0xbf: {  	s0 =	sor.u32 s0, s1  }
0xc0: {  	s0 =	sadd.s32 $0x8F2B, s0  }
0xc1: {  	[sflag:s0] =	ssyncadd.remote.s32 $0x1  }
0xc2: {  	_ =	sfence.sel $0xFFFF  }
0xc3: {  	[dreg:$0x0] =	wrdreg $0xFFFFFFFF;
	(pc) =	sbr.abs _section_cstart, $3  }
0xc4: {  	[dreg:$0x1] =	wrdreg $0xFFFFFFFF  }
0xc5: {  	_ =	task.clear_ibuf [dreg:s8], $0x2FFFF;
	_ =	strace $0x9FFFFFFF  }
0xc6: {  	(tm) =	ssettm $0x7FFFFFFF  }
0xc7: {  	_ =	shalt  }
tec
execute0_lowered:
.L_overlay_start_1:
0x0: {  	(tag) =	ssettag $0x1  }
0x1: {  	s6 =	rddreg [dreg:$0x0]  }
0x2: {  	s7 =	rddreg [dreg:$0x1];
	s3 =	stileid.u32  }
0x3: {  	s8 =	rddreg [dreg:$0x2];
	s4 =	sshll.u32 s3, $0x9;
	s0 =	sshll.u32 s3, $0x4  }
0x4: {  	s1 =	rddreg [dreg:$0x3];
	s9 =	sor.u32 s0, s4  }
0x5: {  	s2 =	rddreg [dreg:$0x4];
	s5 =	simm.s32 $0x0;
	s9 =	sand.u32 $0xE80, s9  }
0x6: {  	[smem:$0x7FF] =	sst s5;
	s9 =	sshrl.u32 s9, $0x3  }
0x7: {  	s0 =	rddreg [dreg:$0x5];
	_ =	strace $0x80000047;
	s10 =	sadd.s32 s7, s9  }
0x8: {  	[tilespmem:s5], [sflag:$0x1] =	stream.linear.gather [hbm4b:s10+s5], $0x80, $0x38;
	[tilespmem:$0x8D80] =	vst v63  }
0x9: {  	s11 =	simm.s32 $0x100;
	s24 =	sadd.s32 s8, s9;
	s9 =	sor.u32 $0x20, s9  }
0xa: {  	[tilespmem:s11], [sflag:$0x2] =	stream.linear.gather [hbm4b:s24+s5], $0x80, $0x38;
	[tilespmem:$0x8D80] =	vst v63  }
0xb: {  	s25 =	simm.s32 $0x80;
	s7 =	sadd.s32 s7, s9  }
0xc: {  	[tilespmem:s25], [sflag:$0x1] =	stream.linear.gather [hbm4b:s7+s5], $0x80, $0x38;
	[tilespmem:$0x8D80] =	vst v63  }
0xd: {  	s28 =	simm.s32 $0x180;
	s26 =	sadd.s32 s8, s9  }
0xe: {  	v0 =	vimm.s32 $0x0;
	[tilespmem:s28], [sflag:$0x2] =	stream.linear.gather [hbm4b:s26+s5], $0x80, $0x38;
	[tilespmem:$0x8D80] =	vst v63  }
0xf: {  	[tilespmem:$0x200] =	vst v0  }
0x10: {  	[tilespmem:$0x210] =	vst v0  }
0x11: {  	[tilespmem:$0x220] =	vst v0  }
0x12: {  	[tilespmem:$0x230] =	vst v0  }
0x13: {  	[tilespmem:$0x240] =	vst v0  }
0x14: {  	[tilespmem:$0x250] =	vst v0  }
0x15: {  	[tilespmem:$0x260] =	vst v0  }
0x16: {  	[tilespmem:$0x270] =	vst v0  }
0x17: {  	[tilespmem:$0x280] =	vst v0  }
0x18: {  	[tilespmem:$0x290] =	vst v0  }
0x19: {  	[tilespmem:$0x2A0] =	vst v0  }
0x1a: {  	[tilespmem:$0x2B0] =	vst v0  }
0x1b: {  	[tilespmem:$0x2C0] =	vst v0  }
0x1c: {  	[tilespmem:$0x2D0] =	vst v0  }
0x1d: {  	[tilespmem:$0x2E0] =	vst v0  }
0x1e: {  	s29 =	simm.s32 $0x1;
	[tilespmem:$0x2F0] =	vst v0  }
0x1f: {  	_ =	swait.ge [sflag:s29], $0x80  }
0x20: {  	[sflag:s29] =	ssyncset.done $0x0  }
0x21: {  	s30 =	simm.s32 $0x2;
	[sflag:s29] =	ssyncadd.s32 $0xFFFFFF80  }
0x22: {  	_ =	swait.ge [sflag:s30], $0x80  }
0x23: {  	[sflag:s30] =	ssyncset.done $0x0  }
0x24: {  	[sflag:s30] =	ssyncadd.s32 $0xFFFFFF80  }
0x25: {  	_ =	swait.ge [sflag:s29], $0x80  }
0x26: {  	[sflag:s29] =	ssyncset.done $0x0  }
0x27: {  	[sflag:s29] =	ssyncadd.s32 $0xFFFFFF80  }
0x28: {  	_ =	swait.ge [sflag:s30], $0x80  }
0x29: {  	[sflag:s30] =	ssyncset.done $0x0  }
0x2a: {  	s31 =	simm.s32 $0x0;
	[sflag:s30] =	ssyncadd.s32 $0xFFFFFF80  }
0x2b: {  	v0 =	vld [tilespmem:s31+$0x100];
	_ =	sdelay $0x4  }
0x2c: {  	vm0 =	vlt.f32 v0, $0.0e+00;
	vm1 =	vgt.f32 v0, $0.0e+00  }
0x2d: {  	v2 =	vld [tilespmem:s31+$0x0];
	vm0 =	vmor vm1, vm0  }
0x2e: {  	v0 =	vmpcnt.ones.xlane vm0  }
0x2f: {  	v1 =	vlaneseq.u32;
	s7 =	sshll.u32 s3, $0x8  }
0x30: {  	v3 =	vor.u32 s7, v1;
	v0 =	vxor.u32 $0x80000000, v0  }
0x31: {  	(xrf0) =	vmax.scan.msk.u32 $0xffff, v0;
	v0 =	vshrl.u32 v3, $0x3  }
0x32: {  	v3 =	vmul.u32 $0x7D0, v0;
	v0 =	vshrl.u32 v2, $0x4  }
0x33: {  	v4 =	vand.u32 $0xFFFFFF8, v0  }
0x34: {  	v0 =	vand.u32 $0x7, v1;
	v3 =	vadd.s32 v3, v4  }
0x35: {  	v3 =	vor.u32 v0, v3;
	_ =	sdelay $0x2  }
0x36: {  	[tilespmem:s5+$0x200] =	vst.msk vm0, v3;
	v3, _, _ =	vpop (xrf0)  }
0x37: {  	v2 =	vand.u32 $0x7F, v2;
	(v2sf) =	vpush v3, $0xF  }
0x38: {  	s9 =	simm.s32 $0x10;
	s8 =	simm.s32 $0x80;
	[tilespmem:s5+$0x300] =	vst.msk vm0, v2  }
.LBB2_1:
0x39: {  	p0 =	sne.s32 s8, $0x3C0;
	v2 =	vld [tilespmem:s9+$0x100];
	_ =	sdelay $0x4  }
0x3a: {  	vm0 =	vlt.f32 v2, $0.0e+00;
	vm1 =	vgt.f32 v2, $0.0e+00  }
0x3b: {  	vm0 =	vmor vm1, vm0  }
0x3c: {  	v2 =	vld [tilespmem:s9+$0x0];
	v3 =	vmpcnt.ones.xlane vm0;
	_ =	sdelay $0x1  }
0x3d: {  	s7 =	sadd.s32 $0x10, s7;
	v3 =	vxor.u32 $0x80000000, v3  }
0x3e: {  	v4 =	vor.u32 s7, v1;
	(xrf0) =	vmax.scan.msk.u32 $0xffff, v3  }
0x3f: {  	v3 =	vshrl.u32 v4, $0x3  }
0x40: {  	v3 =	vmul.u32 $0x7D0, v3;
	v4 =	vshrl.u32 v2, $0x4;
	v2 =	vand.u32 $0x7F, v2  }
0x41: {  	v4 =	vand.u32 $0xFFFFFF8, v4;
	s9 =	spop (v2sf)  }
.Ltmp0:
0x42: {  	v5 =	vadd.s32 v3, v4;
	s5 =	sadd.s32 s9, s5;
	(pc) =	sbr.rel @p0 .LBB2_1-.Ltmp0, $4  }
0x43: {  	v4 =	vor.u32 v0, v5;
	s5 =	sadd.s32 $0x80000000, s5  }
0x44: {  	[tilespmem:s5+$0x200] =	vst.msk vm0, v4;
	v3, _, _ =	vpop (xrf0)  }
0x45: {  	[tilespmem:s5+$0x300] =	vst.msk vm0, v2;
	(v2sf) =	vpush v3, $0xF  }
0x46: {  	s9 =	sshra.s32 s8, $0x2;
	s8 =	sadd.s32 $0x40, s8  }
0x47: {  	v2 =	vld [tilespmem:s9+$0x100];
	_ =	sdelay $0x4  }
0x48: {  	vm0 =	vlt.f32 v2, $0.0e+00;
	vm1 =	vgt.f32 v2, $0.0e+00  }
0x49: {  	vm0 =	vmor vm1, vm0  }
0x4a: {  	v61 =	vmpcnt.ones.xlane vm0;
	_ =	sdelay $0x1  }
0x4b: {  	v2 =	vxor.u32 $0x80000000, v61  }
0x4c: {  	(xrf0) =	vmax.scan.msk.u32 $0xffff, v2;
	_ =	sdelay $0x5  }
0x4d: {  	v2, _, _ =	vpop (xrf0)  }
0x4e: {  	(v2sf) =	vpush v2, $0xF;
	_ =	sdelay $0xc  }
0x4f: {  	v62 =	vld [tilespmem:s9+$0x0];
	s30 =	spop (v2sf)  }
0x50: {  	s7 =	sadd.s32 $0x10, s7;
	s5 =	sadd.s32 s30, s5  }
0x51: {  	v1 =	vor.u32 s7, v1;
	s7 =	sadd.s32 $0x80000000, s5;
	s31 =	spop (v2sf)  }
0x52: {  	s5 =	sadd.s32 s31, s7  }
0x53: {  	v1 =	vshrl.u32 v1, $0x3;
	s5 =	sadd.s32 $0x80000000, s5  }
0x54: {  	v1 =	vmul.u32 $0x7D0, v1;
	v3 =	vshrl.u32 v62, $0x4;
	p0 =	slt.s32 s5, $0x1  }
.Ltmp1:
0x55: {  	v3 =	vand.u32 $0xFFFFFF8, v3;
	(pc) =	sbr.rel @p0 .LBB2_3-.Ltmp1, $4  }
0x56: {  	v1 =	vadd.s32 v1, v3  }
0x57: {  	v0 =	vor.u32 v0, v1  }
0x58: {  	s4 =	sshrl.u32 s4, $0x2;
	v63 =	vand.u32 $0x7F, v62;
	[tilespmem:s7+$0x200] =	vst.msk vm0, v0  }
0x59: {  	s4 =	sadd.s32 s4, s2;
	[tilespmem:s7+$0x300] =	vst.msk vm0, v63  }
0x5a: {  	s8 =	simm.s32 $0x20  }
0x5b: {  	s9 =	simm.s32 $0x200;
	s7 =	simm.s32 $0x400;
	p3 =	slt.u32 s5, $0x21  }
0x5c: {  	[tilespmem:s7], [sflag:$0x3] =	stream.indirect.gather [hbm4b:s6+s8], $0x80, s9, s8, $0xb8;
	[tilespmem:$0x8D80] =	vst v63  }
0x5d: {  	s9 =	simm.s32 @!p3 $0x20;
	p0 =	slt.u32 @!p3 s5, $0x41  }
0x5e: {  	s10 =	simm.s32 @!p3 $0x220;
	s11 =	simm.s32 @!p3 $0x1400;
	p2 =	por p3, p0  }
0x5f: {  	[tilespmem:s11], [sflag:$0x4] =	stream.indirect.gather @!p3 [hbm4b:s6+s9], $0x80, s10, s9, $0xb8;
	[tilespmem:$0x8D80] =	vst v63  }
0x60: {  	s9 =	simm.s32 @!p2 $0x20;
	p0 =	slt.u32 @!p2 s5, $0x61  }
0x61: {  	s10 =	simm.s32 @!p2 $0x240;
	s11 =	simm.s32 @!p2 $0x2400;
	p1 =	por p2, p0  }
0x62: {  	[tilespmem:s11], [sflag:$0x5] =	stream.indirect.gather @!p2 [hbm4b:s6+s9], $0x80, s10, s9, $0xb8;
	[tilespmem:$0x8D80] =	vst v63  }
0x63: {  	p0 =	slt.u32 @!p1 s5, $0x81  }
0x64: {  	s9 =	simm.s32 @!p1 $0x20;
	p0 =	por p1, p0  }
.Ltmp2:
0x65: {  	s10 =	simm.s32 @!p1 $0x260;
	s11 =	simm.s32 @!p1 $0x3400;
	(pc) =	sbr.rel @p0 .LBB2_5-.Ltmp2, $4  }
0x66: {  	[tilespmem:s11], [sflag:$0x6] =	stream.indirect.gather @!p1 [hbm4b:s6+s9], $0x80, s10, s9, $0xb8;
	[tilespmem:$0x8D80] =	vst v63  }
0x67: {  	s9 =	simm.s32 @!p3 $0x0  }
0x68: {  	s9 =	simm.s32 @p3 $0x1  }
0x69: {  	p4 =	por $0x0, $0x0;
	[smem:$0x7FD] =	sst s9  }
0x6a: {  	s9 =	simm.s32 $0x280;
	s10 =	simm.s32 $0x4400;
	p1 =	slt.u32 s5, $0xA1  }
0x6b: {  	[tilespmem:s10], [sflag:$0x7] =	stream.indirect.gather [hbm4b:s6+s8], $0x80, s9, s8, $0xb8;
	[tilespmem:$0x8D80] =	vst v63  }
0x6c: {  	s8 =	simm.s32 @!p1 $0x20;
	p0 =	slt.u32 @!p1 s5, $0xC1  }
0x6d: {  	s9 =	simm.s32 @!p1 $0x2A0;
	s10 =	simm.s32 @!p1 $0x5400;
	p3 =	por p0, p1  }
0x6e: {  	[tilespmem:s10], [sflag:$0x8] =	stream.indirect.gather @!p1 [hbm4b:s6+s8], $0x80, s9, s8, $0xb8;
	[tilespmem:$0x8D80] =	vst v63  }
0x6f: {  	s8 =	simm.s32 @!p3 $0x20;
	p2 =	slt.u32 @!p3 s5, $0xE1  }
0x70: {  	s9 =	simm.s32 @!p3 $0x2C0;
	s10 =	simm.s32 @!p3 $0x6400;
	p5 =	por @!p1 p2, p0  }
0x71: {  	[tilespmem:s10], [sflag:$0x9] =	stream.indirect.gather @!p3 [hbm4b:s6+s8], $0x80, s9, s8, $0xb8;
	[tilespmem:$0x8D80] =	vst v63  }
0x72: {  	p5 =	por p5, p1  }
0x73: {  	s8 =	simm.s32 @!p5 $0x20  }
0x74: {  	s9 =	simm.s32 @!p5 $0x2E0;
	s10 =	simm.s32 @!p5 $0x7400;
	p6 =	por @!p5 $0x1, $0x1  }
0x75: {  	[tilespmem:s10], [sflag:$0xA] =	stream.indirect.gather @!p5 [hbm4b:s6+s8], $0x80, s9, s8, $0xb8;
	[tilespmem:$0x8D80] =	vst v63  }
0x76: {  	s6 =	simm.s32 @!p6 $0x0  }
0x77: {  	s6 =	simm.s32 @p6 $0x1  }
0x78: {  	[smem:$0x7FA] =	sst s6  }
0x79: {  	s6 =	sld [smem:$0x7FA]  }
0x7a: {  	p4 =	por @!p1 !p2, p0  }
0x7b: {  	p2 =	por @!p3 $0x1, $0x1;
	p0 =	por !p0, p1;
	p5 =	por !p4, p1  }
0x7c: {  	p2 =	por @!p5 p6, p6;
	p6 =	por @!p3 $0x0, $0x0;
	p3 =	seq.s32 s6, $0x1  }
0x7d: {  	p4 =	por p2, p2;
	p6 =	por @!p5 p3, p3;
	p3 =	por @!p1 $0x0, $0x0  }
0x7e: {  	p5 =	por @!p1 $0x1, $0x1;
	p4 =	por @!p0 p3, p3  }
0x7f: {  	p2 =	por @!p0 p5, p5;
	p6 =	por @!p0 p3, p3;
	p0 =	por $0x0, $0x0  }
0x80: {  	p0 =	por @!p1 p4, p4  }
0x81: {  	s6 =	simm.s32 @!p0 $0x0  }
0x82: {  	s6 =	simm.s32 @p0 $0x1;
	p0 =	por $0x1, $0x1  }
0x83: {  	p0 =	por @!p1 p2, p2  }
0x84: {  	[smem:$0x7FC] =	sst s6;
	s6 =	simm.s32 @!p0 $0x0  }
0x85: {  	s6 =	simm.s32 @p0 $0x1  }
.Ltmp3:
0x86: {  	[smem:$0x7FB] =	sst s6;
	(pc) =	sbr.rel .LBB2_7-.Ltmp3, $4  }
0x87: {  	s6 =	sld [smem:$0x7FB]  }
0x88: {  	p5 =	por $0x1, $0x1;
	p3 =	por $0x0, $0x0;
	p4 =	por $0x1, $0x1  }
0x89: {  	p5 =	por @!p1 p2, p2;
	p3 =	por @!p1 p2, p2;
	p0 =	por $0x0, $0x0  }
0x8a: {  	p4 =	por @!p1 p2, p2;
	p0 =	por @!p1 p6, p6;
	p6 =	seq.s32 s6, $0x1  }
.LBB2_3:
.Ltmp4:
0x8b: {  	(pc) =	sbr.rel .LBB2_21-.Ltmp4, $2  }
0x8c: {  	_ =	sdelay $0x2  }
0x8d: {  	v0 =	vimm.f32 $0.0e+00  }
.LBB2_5:
0x8e: {  	p0 =	por @!p3 $0x0, $0x0  }
0x8f: {  	p4 =	por @!p3 p0, p0  }
0x90: {  	p3 =	por @!p2 $0x0, $0x0;
	p0 =	por p4, p4  }
0x91: {  	p5 =	por @!p2 $0x1, $0x1;
	p0 =	por @!p2 p3, p3  }
0x92: {  	p4 =	por @!p2 p5, p5;
	p2 =	por @!p1 $0x0, $0x0;
	p5 =	por p0, p0  }
0x93: {  	p5 =	por @!p1 p2, p2  }
0x94: {  	p3 =	por @!p1 $0x1, $0x1;
	p6 =	por p0, p0;
	s6 =	simm.s32 @!p5 $0x0  }
0x95: {  	p4 =	por @!p1 p3, p3;
	s6 =	simm.s32 @p5 $0x1;
	p5 =	por p0, p0  }
0x96: {  	p6 =	por @!p1 p2, p2;
	p5 =	por @!p1 p3, p3;
	p3 =	por p0, p0  }
0x97: {  	[smem:$0x7FC] =	sst s6;
	p0 =	por @!p1 p2, p2;
	p3 =	por @!p1 p2, p2  }
.LBB2_7:
0x98: {  	v0 =	vimm.f32 $0.0e+00  }
0x99: {  	s6 =	simm.s32 $0x3;
	[tilespmem:$0x8400] =	vst v0  }
0x9a: {  	_ =	swait.ge [sflag:s6], $0x1000  }
0x9b: {  	[sflag:s6] =	ssyncset.done $0x0  }
0x9c: {  	[sflag:s6] =	ssyncadd.s32 $0xFFFFF000  }
0x9d: {  	v0 =	vld [tilespmem:$0x300];
	_ =	sdelay $0x1  }
0x9e: {  	v1 =	vld [tilespmem:$0x310]  }
0x9f: {  	v2 =	vlaneseq.u32  }
0xa0: {  	v3 =	vmul.u32 $0x80, v2  }
0xa1: {  	v0 =	vand.u32 $0x7F, v0  }
0xa2: {  	v0 =	vor.u32 v3, v0  }
0xa3: {  	v4 =	vor.u32 $0x800, v3;
	v1 =	vand.u32 $0x7F, v1  }
0xa4: {  	v1 =	vor.u32 v4, v1;
	_ =	sdelay $0x2  }
0xa5: {  	v4 =	vld.idx.msk [tilespmem:v0+s7+$0x0], $0xffff;
	_ =	sdelay $0x1  }
0xa6: {  	v1 =	vld.idx.msk [tilespmem:v1+s7+$0x0], $0xffff;
	_ =	sdelay $0x1  }
0xa7: {  	s31 =	sld [smem:$0x7FD]  }
0xa8: {  	v5 =	vor.u32 $0x10, v2;
	v0 =	vmov s5;
	v4 =	vadd.f32 $0.0e+00, v4  }
0xa9: {  	vm0 =	vgt.s32 v0, v2;
	vm1 =	vgt.s32 v0, v5  }
0xaa: {  	p1 =	seq.s32 s31, $0x1;
	v1 =	vnsel vm1, $0x0, v1;
	v4 =	vnsel vm0, $0x0, v4  }
.Ltmp5:
0xab: {  	v1 =	vadd.f32 v1, v4;
	(pc) =	sbr.rel @p1 .LBB2_14-.Ltmp5, $3  }
0xac: {  	_ = 	snop  }
0xad: {  	v1 =	vsub.f32 $0.0e+00, v1;
	_ =	sdelay $0x1  }
0xae: {  	[tilespmem:$0x8400] =	vst v1  }
0xaf: {  	s6 =	simm.s32 $0x4  }
0xb0: {  	_ =	swait.ge [sflag:s6], $0x1000  }
0xb1: {  	[sflag:s6] =	ssyncset.done $0x0  }
0xb2: {  	[sflag:s6] =	ssyncadd.s32 $0xFFFFF000  }
0xb3: {  	v4 =	vld [tilespmem:$0x320];
	_ =	sdelay $0x1  }
0xb4: {  	v5 =	vld [tilespmem:$0x330];
	_ =	sdelay $0x2  }
0xb5: {  	v6 =	vor.u32 $0x1000, v3;
	v4 =	vand.u32 $0x7F, v4  }
0xb6: {  	v4 =	vor.u32 v6, v4  }
0xb7: {  	v3 =	vor.u32 $0x1800, v3;
	v5 =	vand.u32 $0x7F, v5  }
0xb8: {  	v3 =	vor.u32 v3, v5;
	_ =	sdelay $0x1  }
0xb9: {  	s31 =	simm.s32 $0x400  }
0xba: {  	v4 =	vld.idx.msk [tilespmem:v4+s31+$0x0], $0xffff;
	_ =	sdelay $0x1  }
0xbb: {  	v3 =	vld.idx.msk [tilespmem:v3+s31+$0x0], $0xffff;
	_ =	sdelay $0x2  }
0xbc: {  	v63 =	vor.u32 $0x20, v2;
	v2 =	vor.u32 $0x30, v2;
	v4 =	vadd.f32 $0.0e+00, v4  }
0xbd: {  	vm0 =	vgt.s32 v0, v63;
	vm1 =	vgt.s32 v0, v2  }
0xbe: {  	v3 =	vnsel vm1, $0x0, v3;
	v2 =	vnsel vm0, $0x0, v4  }
.Ltmp6:
0xbf: {  	v2 =	vadd.f32 v3, v2;
	(pc) =	sbr.rel @p4 .LBB2_15-.Ltmp6, $3  }
0xc0: {  	_ = 	snop  }
0xc1: {  	v1 =	vsub.f32 v1, v2;
	_ =	sdelay $0x1  }
0xc2: {  	[tilespmem:$0x8400] =	vst v1  }
.LBB2_9:
.Ltmp7:
0xc3: {  	(pc) =	sbr.rel @!p5 .LBB2_10-.Ltmp7, $1  }
0xc4: {  	_ =	sdelay $0x3  }
.LBB2_16:
0xc5: {  	s6 =	simm.s32 $0x6  }
0xc6: {  	_ =	swait.ge [sflag:s6], $0x1000  }
0xc7: {  	[sflag:s6] =	ssyncset.done $0x0  }
0xc8: {  	[sflag:s6] =	ssyncadd.s32 $0xFFFFF000  }
0xc9: {  	v2 =	vld [tilespmem:$0x360];
	_ =	sdelay $0x1  }
0xca: {  	v3 =	vlaneseq.u32;
	v4 =	vld [tilespmem:$0x370]  }
0xcb: {  	v5 =	vmul.u32 $0x80, v3;
	_ =	sdelay $0x1  }
0xcc: {  	v6 =	vor.u32 $0x3000, v5;
	v2 =	vand.u32 $0x7F, v2  }
0xcd: {  	v2 =	vor.u32 v6, v2  }
0xce: {  	v5 =	vor.u32 $0x3800, v5;
	v4 =	vand.u32 $0x7F, v4  }
0xcf: {  	v4 =	vor.u32 v5, v4;
	_ =	sdelay $0x1  }
0xd0: {  	s31 =	simm.s32 $0x400  }
0xd1: {  	v2 =	vld.idx.msk [tilespmem:v2+s31+$0x0], $0xffff;
	_ =	sdelay $0x1  }
0xd2: {  	v4 =	vld.idx.msk [tilespmem:v4+s31+$0x0], $0xffff;
	_ =	sdelay $0x2  }
0xd3: {  	v63 =	vor.u32 $0x60, v3;
	v3 =	vor.u32 $0x70, v3;
	v2 =	vadd.f32 $0.0e+00, v2  }
0xd4: {  	vm0 =	vgt.s32 v0, v63;
	vm1 =	vgt.s32 v0, v3  }
0xd5: {  	v3 =	vnsel vm1, $0x0, v4;
	v2 =	vnsel vm0, $0x0, v2  }
.Ltmp8:
0xd6: {  	v2 =	vadd.f32 v3, v2;
	(pc) =	sbr.rel @p6 .LBB2_17-.Ltmp8, $3  }
0xd7: {  	_ = 	snop  }
0xd8: {  	v1 =	vsub.f32 v1, v2;
	_ =	sdelay $0x1  }
0xd9: {  	[tilespmem:$0x8400] =	vst v1  }
.LBB2_11:
.Ltmp9:
0xda: {  	(pc) =	sbr.rel @!p3 .LBB2_12-.Ltmp9, $1  }
0xdb: {  	_ =	sdelay $0x3  }
.LBB2_18:
0xdc: {  	s6 =	simm.s32 $0x8  }
0xdd: {  	_ =	swait.ge [sflag:s6], $0x1000  }
0xde: {  	[sflag:s6] =	ssyncset.done $0x0  }
0xdf: {  	[sflag:s6] =	ssyncadd.s32 $0xFFFFF000  }
0xe0: {  	v2 =	vld [tilespmem:$0x3A0];
	_ =	sdelay $0x1  }
0xe1: {  	v3 =	vlaneseq.u32;
	v4 =	vld [tilespmem:$0x3B0]  }
0xe2: {  	v5 =	vmul.u32 $0x80, v3;
	_ =	sdelay $0x1  }
0xe3: {  	v6 =	vor.u32 $0x5000, v5;
	v2 =	vand.u32 $0x7F, v2  }
0xe4: {  	v2 =	vor.u32 v6, v2  }
0xe5: {  	v5 =	vor.u32 $0x5800, v5;
	v4 =	vand.u32 $0x7F, v4  }
0xe6: {  	v4 =	vor.u32 v5, v4;
	_ =	sdelay $0x1  }
0xe7: {  	s30 =	simm.s32 $0x400  }
0xe8: {  	v2 =	vld.idx.msk [tilespmem:v2+s30+$0x0], $0xffff;
	_ =	sdelay $0x1  }
0xe9: {  	v4 =	vld.idx.msk [tilespmem:v4+s30+$0x0], $0xffff;
	_ =	sdelay $0x1  }
0xea: {  	s31 =	sld [smem:$0x7FC]  }
0xeb: {  	v63 =	vor.u32 $0xA0, v3;
	v3 =	vor.u32 $0xB0, v3;
	v2 =	vadd.f32 $0.0e+00, v2  }
0xec: {  	vm0 =	vgt.s32 v0, v63;
	vm1 =	vgt.s32 v0, v3  }
0xed: {  	p1 =	seq.s32 s31, $0x1;
	v3 =	vnsel vm1, $0x0, v4;
	v2 =	vnsel vm0, $0x0, v2  }
.Ltmp10:
0xee: {  	v2 =	vadd.f32 v3, v2;
	(pc) =	sbr.rel @p1 .LBB2_19-.Ltmp10, $3  }
0xef: {  	_ = 	snop  }
0xf0: {  	v1 =	vsub.f32 v1, v2;
	_ =	sdelay $0x1  }
0xf1: {  	[tilespmem:$0x8400] =	vst v1  }
.LBB2_13:
.Ltmp11:
0xf2: {  	(pc) =	sbr.rel @!p0 .LBB2_22-.Ltmp11, $4  }
.Ltmp12:
0xf3: {  	(pc) =	sbr.rel @p0 .LBB2_20-.Ltmp12, $4  }
0xf4: {  	_ = 	snop  }
0xf5: {  	_ = 	snop  }
0xf6: {  	_ = 	snop  }
0xf7: {  	_ = 	snop  }
.LBB2_14:
.Ltmp13:
0xf8: {  	(pc) =	sbr.rel @!p4 .LBB2_9-.Ltmp13, $1  }
0xf9: {  	_ =	sdelay $0x3  }
.LBB2_15:
0xfa: {  	s6 =	simm.s32 $0x5  }
0xfb: {  	_ =	swait.ge [sflag:s6], $0x1000  }
0xfc: {  	[sflag:s6] =	ssyncset.done $0x0  }
0xfd: {  	[sflag:s6] =	ssyncadd.s32 $0xFFFFF000  }
0xfe: {  	v2 =	vld [tilespmem:$0x340];
	_ =	sdelay $0x1  }
0xff: {  	v3 =	vlaneseq.u32;
	v4 =	vld [tilespmem:$0x350]  }
0x100: {  	v5 =	vmul.u32 $0x80, v3;
	_ =	sdelay $0x1  }
0x101: {  	v6 =	vor.u32 $0x2000, v5;
	v2 =	vand.u32 $0x7F, v2  }
0x102: {  	v2 =	vor.u32 v6, v2  }
0x103: {  	v5 =	vor.u32 $0x2800, v5;
	v4 =	vand.u32 $0x7F, v4  }
0x104: {  	v4 =	vor.u32 v5, v4;
	_ =	sdelay $0x1  }
0x105: {  	s31 =	simm.s32 $0x400  }
0x106: {  	v2 =	vld.idx.msk [tilespmem:v2+s31+$0x0], $0xffff;
	_ =	sdelay $0x1  }
0x107: {  	v4 =	vld.idx.msk [tilespmem:v4+s31+$0x0], $0xffff;
	_ =	sdelay $0x2  }
0x108: {  	v63 =	vor.u32 $0x40, v3;
	v3 =	vor.u32 $0x50, v3;
	v2 =	vadd.f32 $0.0e+00, v2  }
0x109: {  	vm0 =	vgt.s32 v0, v63;
	vm1 =	vgt.s32 v0, v3  }
0x10a: {  	v3 =	vnsel vm1, $0x0, v4;
	v2 =	vnsel vm0, $0x0, v2  }
.Ltmp14:
0x10b: {  	v2 =	vadd.f32 v3, v2;
	(pc) =	sbr.rel @p5 .LBB2_16-.Ltmp14, $3  }
0x10c: {  	_ = 	snop  }
0x10d: {  	v1 =	vsub.f32 v1, v2;
	_ =	sdelay $0x1  }
0x10e: {  	[tilespmem:$0x8400] =	vst v1  }
.LBB2_10:
.Ltmp15:
0x10f: {  	(pc) =	sbr.rel @!p6 .LBB2_11-.Ltmp15, $1  }
0x110: {  	_ =	sdelay $0x3  }
.LBB2_17:
0x111: {  	s6 =	simm.s32 $0x7  }
0x112: {  	_ =	swait.ge [sflag:s6], $0x1000  }
0x113: {  	[sflag:s6] =	ssyncset.done $0x0  }
0x114: {  	[sflag:s6] =	ssyncadd.s32 $0xFFFFF000  }
0x115: {  	v2 =	vld [tilespmem:$0x380];
	_ =	sdelay $0x1  }
0x116: {  	v3 =	vlaneseq.u32;
	v4 =	vld [tilespmem:$0x390]  }
0x117: {  	v5 =	vmul.u32 $0x80, v3;
	_ =	sdelay $0x1  }
0x118: {  	v6 =	vor.u32 $0x4000, v5;
	v2 =	vand.u32 $0x7F, v2  }
0x119: {  	v2 =	vor.u32 v6, v2  }
0x11a: {  	v5 =	vor.u32 $0x4800, v5;
	v4 =	vand.u32 $0x7F, v4  }
0x11b: {  	v4 =	vor.u32 v5, v4;
	_ =	sdelay $0x1  }
0x11c: {  	s31 =	simm.s32 $0x400  }
0x11d: {  	v2 =	vld.idx.msk [tilespmem:v2+s31+$0x0], $0xffff;
	_ =	sdelay $0x1  }
0x11e: {  	v4 =	vld.idx.msk [tilespmem:v4+s31+$0x0], $0xffff;
	_ =	sdelay $0x2  }
0x11f: {  	v63 =	vor.u32 $0x80, v3;
	v3 =	vor.u32 $0x90, v3;
	v2 =	vadd.f32 $0.0e+00, v2  }
0x120: {  	vm0 =	vgt.s32 v0, v63;
	vm1 =	vgt.s32 v0, v3  }
0x121: {  	v3 =	vnsel vm1, $0x0, v4;
	v2 =	vnsel vm0, $0x0, v2  }
.Ltmp16:
0x122: {  	v2 =	vadd.f32 v3, v2;
	(pc) =	sbr.rel @p3 .LBB2_18-.Ltmp16, $3  }
0x123: {  	_ = 	snop  }
0x124: {  	v1 =	vsub.f32 v1, v2;
	_ =	sdelay $0x1  }
0x125: {  	[tilespmem:$0x8400] =	vst v1  }
.LBB2_12:
0x126: {  	s6 =	sld [smem:$0x7FC];
	_ =	sdelay $0x2  }
0x127: {  	p1 =	seq.s32 s6, $0x1  }
.Ltmp17:
0x128: {  	_ = 	snop;
	(pc) =	sbr.rel @!p1 .LBB2_13-.Ltmp17, $1  }
0x129: {  	_ =	sdelay $0x3  }
.LBB2_19:
0x12a: {  	s6 =	simm.s32 $0x9  }
0x12b: {  	_ =	swait.ge [sflag:s6], $0x1000  }
0x12c: {  	[sflag:s6] =	ssyncset.done $0x0  }
0x12d: {  	[sflag:s6] =	ssyncadd.s32 $0xFFFFF000  }
0x12e: {  	v2 =	vld [tilespmem:$0x3C0];
	_ =	sdelay $0x1  }
0x12f: {  	v3 =	vlaneseq.u32;
	v4 =	vld [tilespmem:$0x3D0]  }
0x130: {  	v5 =	vmul.u32 $0x80, v3;
	_ =	sdelay $0x1  }
0x131: {  	v6 =	vor.u32 $0x6000, v5;
	v2 =	vand.u32 $0x7F, v2  }
0x132: {  	v2 =	vor.u32 v6, v2  }
0x133: {  	v5 =	vor.u32 $0x6800, v5;
	v4 =	vand.u32 $0x7F, v4  }
0x134: {  	v4 =	vor.u32 v5, v4;
	_ =	sdelay $0x1  }
0x135: {  	s31 =	simm.s32 $0x400  }
0x136: {  	v2 =	vld.idx.msk [tilespmem:v2+s31+$0x0], $0xffff;
	_ =	sdelay $0x1  }
0x137: {  	v4 =	vld.idx.msk [tilespmem:v4+s31+$0x0], $0xffff;
	_ =	sdelay $0x2  }
0x138: {  	v63 =	vor.u32 $0xC0, v3;
	v3 =	vor.u32 $0xD0, v3;
	v2 =	vadd.f32 $0.0e+00, v2  }
0x139: {  	vm0 =	vgt.s32 v0, v63;
	vm1 =	vgt.s32 v0, v3  }
0x13a: {  	v3 =	vnsel vm1, $0x0, v4;
	v2 =	vnsel vm0, $0x0, v2  }
.Ltmp18:
0x13b: {  	v2 =	vadd.f32 v3, v2;
	(pc) =	sbr.rel @!p0 .LBB2_22-.Ltmp18, $3  }
0x13c: {  	_ = 	snop  }
0x13d: {  	v1 =	vsub.f32 v1, v2;
	_ =	sdelay $0x1  }
0x13e: {  	[tilespmem:$0x8400] =	vst v1  }
.LBB2_20:
0x13f: {  	s6 =	simm.s32 $0xA  }
0x140: {  	_ =	swait.ge [sflag:s6], $0x1000  }
0x141: {  	[sflag:s6] =	ssyncset.done $0x0  }
0x142: {  	[sflag:s6] =	ssyncadd.s32 $0xFFFFF000  }
0x143: {  	v2 =	vld [tilespmem:$0x3E0];
	_ =	sdelay $0x1  }
0x144: {  	v3 =	vlaneseq.u32;
	v4 =	vld [tilespmem:$0x3F0]  }
0x145: {  	v5 =	vmul.u32 $0x80, v3;
	_ =	sdelay $0x1  }
0x146: {  	v6 =	vor.u32 $0x7000, v5;
	v2 =	vand.u32 $0x7F, v2  }
0x147: {  	v2 =	vor.u32 v6, v2  }
0x148: {  	v5 =	vor.u32 $0x7800, v5;
	v4 =	vand.u32 $0x7F, v4  }
0x149: {  	v4 =	vor.u32 v5, v4;
	_ =	sdelay $0x1  }
0x14a: {  	s31 =	simm.s32 $0x400  }
0x14b: {  	v2 =	vld.idx.msk [tilespmem:v2+s31+$0x0], $0xffff;
	_ =	sdelay $0x1  }
0x14c: {  	v4 =	vld.idx.msk [tilespmem:v4+s31+$0x0], $0xffff;
	_ =	sdelay $0x2  }
0x14d: {  	v63 =	vor.u32 $0xE0, v3;
	v3 =	vor.u32 $0xF0, v3;
	v2 =	vadd.f32 $0.0e+00, v2  }
0x14e: {  	vm0 =	vgt.s32 v0, v63;
	vm1 =	vgt.s32 v0, v3  }
0x14f: {  	v0 =	vnsel vm0, $0x0, v2;
	v2 =	vnsel vm1, $0x0, v4  }
0x150: {  	v0 =	vadd.f32 v2, v0;
	_ =	sdelay $0x1  }
0x151: {  	v0 =	vsub.f32 v1, v0  }
.LBB2_21:
0x152: {  	_ = 	snop  }
0x153: {  	[tilespmem:$0x8400] =	vst v0  }
.LBB2_22:
0x154: {  	s5 =	scvt.s32.f32 s5;
	_ =	sdelay $0x1  }
0x155: {  	vm0 =	vcmask $0x300;
	v0 =	vmov s5  }
0x156: {  	v0 =	vnsel vm0, $0x0, v0  }
0x157: {  	s31 =	simm.s32 $0x8400;
	[tilespmem:$0x8410] =	vst v0  }
0x158: {  	[spmem:s4] =	stream.linear.scatter [tilespmem:s31], [sflag:$0xB], $0x80, $0x38;
	[tilespmem:$0x8D80] =	vst v63  }
0x159: {  	s4 =	simm.s32 $0xB  }
0x15a: {  	_ =	swait.ge [sflag:s4], $0x80  }
0x15b: {  	[sflag:s4] =	ssyncset.done $0x0  }
0x15c: {  	[sflag:s4] =	ssyncadd.s32 $0xFFFFFF80  }
0x15d: {  	p0 =	sne.s32 s3, $0x0;
	[bflag:$0x0] =	sbarrier.arrive $0xFFFF  }
0x15e: {  	_ =	sfence.sel @p0 $0x180000  }
0x15f: {  	[bflag:$0x0] =	sbarrier.arrive @p0 $0xFFFF  }
0x160: {  	_ =	strace @p0 $0x90000047  }
0x161: {  	[bflag:$0x2] =	sbarrier.arrive @p0 $0xFFFF  }
0x162: {  	_ =	shalt @p0  }
.LBB2_23:
0x163: {  	s3 =	simm.s32 $0x8480  }
0x164: {  	[tilespmem:s3], [sflag:$0xB] =	stream.linear.gather [spmem:s2], $0x800, $0x38;
	[tilespmem:$0x8D80] =	vst v63  }
0x165: {  	_ =	swait.ge [sflag:s4], $0x800  }
0x166: {  	[sflag:s4] =	ssyncset.done $0x0  }
0x167: {  	[sflag:s4] =	ssyncadd.s32 $0xFFFFF800  }
0x168: {  	v0 =	vld [tilespmem:$0x8480]  }
0x169: {  	v1 =	vld [tilespmem:$0x8490]  }
0x16a: {  	v2 =	vld [tilespmem:$0x8500]  }
0x16b: {  	v3 =	vld [tilespmem:$0x8510]  }
0x16c: {  	v4 =	vld [tilespmem:$0x8580]  }
0x16d: {  	v5 =	vld [tilespmem:$0x8590];
	v0 =	vadd.f32 $0.0e+00, v0  }
0x16e: {  	v6 =	vld [tilespmem:$0x8600];
	v1 =	vadd.f32 $0.0e+00, v1  }
0x16f: {  	v39 =	vld [tilespmem:$0x8610];
	v0 =	vadd.f32 v2, v0  }
0x170: {  	v40 =	vld [tilespmem:$0x8680];
	v1 =	vadd.f32 v3, v1  }
0x171: {  	v41 =	vld [tilespmem:$0x8690];
	v0 =	vadd.f32 v4, v0  }
0x172: {  	v42 =	vld [tilespmem:$0x8700];
	v1 =	vadd.f32 v5, v1  }
0x173: {  	v43 =	vld [tilespmem:$0x8710];
	v0 =	vadd.f32 v6, v0  }
0x174: {  	v44 =	vld [tilespmem:$0x8780];
	v1 =	vadd.f32 v39, v1  }
0x175: {  	v45 =	vld [tilespmem:$0x8790];
	v0 =	vadd.f32 v40, v0  }
0x176: {  	v46 =	vld [tilespmem:$0x8800];
	v1 =	vadd.f32 v41, v1  }
0x177: {  	v47 =	vld [tilespmem:$0x8810];
	v0 =	vadd.f32 v42, v0  }
0x178: {  	v48 =	vld [tilespmem:$0x8880];
	v1 =	vadd.f32 v43, v1  }
0x179: {  	v49 =	vld [tilespmem:$0x8890];
	v0 =	vadd.f32 v44, v0  }
0x17a: {  	v50 =	vld [tilespmem:$0x8900];
	v1 =	vadd.f32 v45, v1  }
0x17b: {  	v51 =	vld [tilespmem:$0x8910];
	v0 =	vadd.f32 v46, v0  }
0x17c: {  	v52 =	vld [tilespmem:$0x8980];
	v1 =	vadd.f32 v47, v1  }
0x17d: {  	v53 =	vld [tilespmem:$0x8990];
	v0 =	vadd.f32 v48, v0  }
0x17e: {  	v54 =	vld [tilespmem:$0x8A00];
	v1 =	vadd.f32 v49, v1  }
0x17f: {  	v55 =	vld [tilespmem:$0x8A10];
	v0 =	vadd.f32 v50, v0  }
0x180: {  	v56 =	vld [tilespmem:$0x8A80];
	v1 =	vadd.f32 v51, v1  }
0x181: {  	v57 =	vld [tilespmem:$0x8A90];
	v0 =	vadd.f32 v52, v0  }
0x182: {  	v58 =	vld [tilespmem:$0x8B00];
	v1 =	vadd.f32 v53, v1  }
0x183: {  	v59 =	vld [tilespmem:$0x8B10];
	v0 =	vadd.f32 v54, v0  }
0x184: {  	v60 =	vld [tilespmem:$0x8B80];
	v1 =	vadd.f32 v55, v1  }
0x185: {  	v61 =	vld [tilespmem:$0x8B90];
	v0 =	vadd.f32 v56, v0  }
0x186: {  	v62 =	vld [tilespmem:$0x8C00];
	v1 =	vadd.f32 v57, v1  }
0x187: {  	v63 =	vld [tilespmem:$0x8C10];
	v0 =	vadd.f32 v58, v0  }
0x188: {  	v1 =	vadd.f32 v59, v1  }
0x189: {  	v0 =	vadd.f32 v60, v0  }
0x18a: {  	v1 =	vadd.f32 v61, v1  }
0x18b: {  	v0 =	vadd.f32 v62, v0  }
0x18c: {  	v1 =	vadd.f32 v63, v1  }
0x18d: {  	(xrf2) =	vadd.scan.msk.f32 $0xffff, v0  }
0x18e: {  	(xrf2) =	vadd.scan.msk.f32 $0xffff, v1;
	_ =	sdelay $0x8  }
0x18f: {  	v0, _, _ =	vpop (xrf2)  }
0x190: {  	v1, _, _ =	vpop (xrf2)  }
0x191: {  	v1 =	vbroadcast v1, $0xF;
	_ =	sdelay $0x1  }
0x192: {  	(erf) = vrcp.f32 v1;
	_ =	sdelay $0x7  }
0x193: {  	v0 =	vbroadcast v0, $0xF  }
0x194: {  	v1 =	vpop (erf)  }
0x195: {  	v0 =	vmul.f32 v1, v0;
	_ =	sdelay $0x1  }
0x196: {  	s30 =	simm.s32 $0x0;
	s31 =	simm.s32 $0x8C80;
	[tilespmem:$0x8C80] =	vst v0  }
0x197: {  	[hbm4b:s1+s30] =	stream.linear.scatter [tilespmem:s31], [sflag:$0xB], $0x80, $0x38;
	[tilespmem:$0x8D80] =	vst v63  }
0x198: {  	_ =	swait.ge [sflag:s4], $0x80  }
0x199: {  	[sflag:s4] =	ssyncset.done $0x0  }
0x19a: {  	[sflag:s4] =	ssyncadd.s32 $0xFFFFFF80  }
0x19b: {  	_ =	sfence.sel $0x180000  }
0x19c: {  	[bflag:$0x0] =	sbarrier.arrive $0xFFFF  }
0x19d: {  	_ =	strace $0x90000047  }
0x19e: {  	s0 =	sadd.s32 $0x100000, s0;
	[bflag:$0x2] =	sbarrier.arrive $0xFFFF  }
0x19f: {  	[sflag:s0] =	ssyncadd.tile.s32 $0x1;
	_ =	shalt  }
.Lfunc_end2:
_tile_overlayer_lowered:
.L_overlay_start_2:
0x1a0: {  	(tag) =	ssettag $0x2  }
0x1a1: {  	s0 =	rddreg [dreg:$0x0];
	s2 =	stileid.u32  }
0x1a2: {  	s1 =	rddreg [dreg:$0x1];
	p0 =	sne.s32 s2, $0x0  }
0x1a3: {  	s3 =	rddreg [dreg:$0x2];
	[bflag:$0x3] =	sbarrier.arrive $0xFFFF;
	s2 =	simm.s32 @!p0 $0x1C0B  }
0x1a4: {  	[timem:s3], [sflag:s2] =	dma.local @!p0 [hbm:s0], s1  }
0x1a5: {  	s0 =	simm.s32 @!p0 $0xB  }
0x1a6: {  	_ =	swait.ge @!p0 [sflag:s0], s1  }
0x1a7: {  	s1 =	ssub.s32 @!p0 $0x0, s1;
	[sflag:s0] =	ssyncset.done @!p0 $0x0  }
0x1a8: {  	[sflag:s0] =	ssyncadd.s32 @!p0 s1  }
0x1a9: {  	[bflag:$0x3] =	sbarrier.arrive $0xFFFF  }
0x1aa: {  	_ =	shalt  }

</sc_bundles>
